<compile_context>
chip_gen: v7x
topology: tpu7x:2x2x1
jax: 0.10.2.dev20260603
libtpu: 0.0.44.dev20260713+nightly
codegen_flags: <defaults>
</compile_context>

<pallas_src>
import functools
import math

import jax
import jax.numpy as jnp
from jax import lax
from jax.experimental import pallas as pl
from jax.experimental.pallas import tpu as pltpu
from jax.experimental.pallas import tpu_sc as plsc

_NCOLS = 2048
_CHUNK_ROWS = 32
_CHUNK_WORDS = _CHUNK_ROWS * _NCOLS
_NUM_WORKERS = 32
_PPAD = 30720
_M = 8192
_K = 4096


def _sc_body(gtt_h, ovl_h, qr_h, qs_h,
             c_out_h,
             gr_v, gs_v, ovl_v, elin_v, qr_v, qs_v, qlin_v, mapb,
             acc_c_v, sem_b, sem_c, sem_d):
    wid = lax.axis_index("s") * 2 + lax.axis_index("c")

    half_m = _M // 2
    cp_gr0 = pltpu.async_copy(gtt_h.at[0, pl.ds(0, half_m)],
                              gr_v.at[pl.ds(0, half_m)], sem_b)
    cp_gs0 = pltpu.async_copy(gtt_h.at[1, pl.ds(0, half_m)],
                              gs_v.at[pl.ds(0, half_m)], sem_b)
    cp_ovl0 = pltpu.async_copy(ovl_h.at[pl.ds(0, half_m)],
                               ovl_v.at[pl.ds(0, half_m)], sem_b)
    cp_gr1 = pltpu.async_copy(gtt_h.at[0, pl.ds(half_m, half_m)],
                              gr_v.at[pl.ds(half_m, half_m)], sem_c)
    cp_gs1 = pltpu.async_copy(gtt_h.at[1, pl.ds(half_m, half_m)],
                              gs_v.at[pl.ds(half_m, half_m)], sem_c)
    cp_ovl1 = pltpu.async_copy(ovl_h.at[pl.ds(half_m, half_m)],
                               ovl_v.at[pl.ds(half_m, half_m)], sem_c)
    cp_qr = pltpu.async_copy(qr_h, qr_v, sem_d)
    cp_qs = pltpu.async_copy(qs_h, qs_v, sem_d)

    zeros = jnp.zeros((16,), jnp.float32)
    ones = jnp.ones((16,), jnp.float32)
    izeros = jnp.zeros((16,), jnp.int32)
    lane = lax.iota(jnp.int32, 16)
    wnd_u = jnp.uint32(2 * _CHUNK_WORDS)
    wbase = wid * (2 * _CHUNK_WORDS)
    nwords_u = jnp.uint32(_CHUNK_WORDS)

    lane_e = lane * (_M // 16)
    lane_q = lane * (_K // 16)

    _UNROLL = 8

    def _efilter(base_o):
        def ebody(i, off):
            rels, ms = [], []
            for j in range(_UNROLL):
                o = base_o + (i * _UNROLL + j) * 16
                er = gr_v[pl.ds(o, 16)]
                es = gs_v[pl.ds(o, 16)]
                eo = ovl_v[pl.ds(o, 16)]
                rel = er * _NCOLS + es - wbase
                ms.append((eo > 0.0) & (plsc.bitcast(rel, jnp.uint32) < wnd_u))
                rels.append(rel)
            offs = []
            for j in range(_UNROLL):
                offs.append(off)
                off = off + jnp.where(ms[j], 1, 0)
            for j in range(_UNROLL):
                plsc.store_scatter(elin_v, [lane_e + offs[j]], rels[j], mask=ms[j])
            return off
        return ebody

    cp_gr0.wait(); cp_gs0.wait(); cp_ovl0.wait()
    eoff = lax.fori_loop(0, _M // (32 * _UNROLL), _efilter(0), izeros)
    cp_gr1.wait(); cp_gs1.wait(); cp_ovl1.wait()
    eoff = lax.fori_loop(0, _M // (32 * _UNROLL), _efilter(half_m), eoff)

    cp_qr.wait(); cp_qs.wait()

    def qfbody(i, off):
        rels, ms = [], []
        for j in range(_UNROLL):
            o = (i * _UNROLL + j) * 16
            rel = qr_v[pl.ds(o, 16)] * _NCOLS + qs_v[pl.ds(o, 16)] - wbase
            ms.append(plsc.bitcast(rel, jnp.uint32) < wnd_u)
            rels.append(rel)
        offs = []
        for j in range(_UNROLL):
            offs.append(off)
            off = off + jnp.where(ms[j], 1, 0)
        for j in range(_UNROLL):
            plsc.store_scatter(qlin_v, [lane_q + offs[j]], rels[j], mask=ms[j])
        return off

    qoff = lax.fori_loop(0, _K // (16 * _UNROLL), qfbody, izeros)

    ne = jnp.max(eoff)
    nq = jnp.max(qoff)

    cacc = zeros
    for half in range(2):
        base = half * _CHUNK_WORDS

        def zbody(i, _):
            rel = plsc.load_gather(qlin_v, [lane_q + i]) - base
            m = (i < qoff) & (plsc.bitcast(rel, jnp.uint32) < nwords_u)
            idx = rel & (_CHUNK_WORDS - 1)
            plsc.store_scatter(mapb, [idx], zeros, mask=m)
            return 0

        lax.fori_loop(0, nq, zbody, 0)

        def sbody(i, _):
            rel = plsc.load_gather(elin_v, [lane_e + i]) - base
            m = (i < eoff) & (plsc.bitcast(rel, jnp.uint32) < nwords_u)
            idx = rel & (_CHUNK_WORDS - 1)
            plsc.store_scatter(mapb, [idx], ones, mask=m)
            return 0

        lax.fori_loop(0, ne, sbody, 0)

        def gbody(i, acc):
            rel = plsc.load_gather(qlin_v, [lane_q + i]) - base
            m = (i < qoff) & (plsc.bitcast(rel, jnp.uint32) < nwords_u)
            idx = rel & (_CHUNK_WORDS - 1)
            v = plsc.load_gather(mapb, [idx], mask=m)
            return acc + jnp.where(m, v, 0.0)

        cacc = lax.fori_loop(0, nq, gbody, cacc)

    acc_c_v[...] = cacc
    pltpu.sync_copy(acc_c_v, c_out_h.at[pl.ds(wid * 16, 16)])


def _tc_fine_body(prt_ref, pst_ref, t_ref, e_ref, out_ref):
    t = t_ref[...]
    e = e_ref[...]
    pr = prt_ref[...]
    ps = pst_ref[...]
    sx = ps[0:1, :]
    sy = ps[1:2, :]
    sz = ps[2:3, :]
    dx = pr[0:1, :] - (t[0, 0] * sx + t[0, 1] * sy + t[0, 2] * sz + t[0, 3])
    dy = pr[1:2, :] - (t[1, 0] * sx + t[1, 1] * sy + t[1, 2] * sz + t[1, 3])
    dz = pr[2:3, :] - (t[2, 0] * sx + t[2, 1] * sy + t[2, 2] * sz + t[2, 3])
    d2 = dx * dx + dy * dy + dz * dz
    pidx = lax.broadcasted_iota(jnp.int32, (1, _PPAD), 1)
    inlier = (pidx < 30000) & (d2 < 0.01)
    f_prec = jnp.sum(jnp.where(inlier, 1.0, 0.0)) * (1.0 / 30000.0)
    tr = jnp.sum(t[:3, :3] * e[:3, :3])
    x = jnp.clip((tr - 1.0) * 0.5, -1.0, 1.0)
    acos = jnp.arctan2(jnp.sqrt(jnp.maximum(1.0 - x * x, 0.0)), x)
    rre = acos * (180.0 / math.pi)
    dt = t[:3, 3] - e[:3, 3]
    rte = jnp.sqrt(jnp.sum(dt * dt))
    recall = jnp.where((rre < 15.0) & (rte < 0.3), 1.0, 0.0)
    i8 = lax.broadcasted_iota(jnp.int32, (1, 8), 1)
    v = jnp.where(i8 == 1, f_prec,
        jnp.where(i8 == 2, rre,
        jnp.where(i8 == 3, rte,
        jnp.where(i8 == 4, recall, 0.0))))
    out_ref[...] = v


def _tc_combine_body(cpart_ref, fine_ref, out_ref):
    c_prec = jnp.sum(cpart_ref[...]) * (1.0 / 4096.0)
    i5 = lax.broadcasted_iota(jnp.int32, (5,), 0)
    out_ref[...] = jnp.where(i5 == 0, c_prec, fine_ref[0, :5])


def kernel(ref_points_c, src_points_c, gt_node_corr_overlaps, gt_node_corr_indices,
           ref_node_corr_indices, src_node_corr_indices, ref_corr_points,
           src_corr_points, transform, estimated_transform):
    gtt = gt_node_corr_indices.astype(jnp.int32).T
    qr = ref_node_corr_indices.astype(jnp.int32)
    qs = src_node_corr_indices.astype(jnp.int32)
    p = ref_corr_points.shape[0]
    prt = jnp.pad(ref_corr_points.T, ((0, 0), (0, _PPAD - p)))
    pst = jnp.pad(src_corr_points.T, ((0, 0), (0, _PPAD - p)))

    fine = pl.pallas_call(
        _tc_fine_body,
        out_shape=jax.ShapeDtypeStruct((1, 8), jnp.float32),
    )(prt, pst, transform.astype(jnp.float32),
      estimated_transform.astype(jnp.float32))

    mesh = plsc.VectorSubcoreMesh(core_axis_name="c", subcore_axis_name="s",
                                  num_cores=2, num_subcores=16)
    sc_fn = functools.partial(
        pl.kernel,
        out_type=jax.ShapeDtypeStruct((_NUM_WORKERS * 16,), jnp.float32),
        mesh=mesh,
        scratch_types=[
            pltpu.VMEM((_M,), jnp.int32),
            pltpu.VMEM((_M,), jnp.int32),
            pltpu.VMEM((_M,), jnp.float32),
            pltpu.VMEM((_M,), jnp.int32),
            pltpu.VMEM((_K,), jnp.int32),
            pltpu.VMEM((_K,), jnp.int32),
            pltpu.VMEM((_K,), jnp.int32),
            pltpu.VMEM((_CHUNK_WORDS,), jnp.float32),
            pltpu.VMEM((16,), jnp.float32),
            pltpu.SemaphoreType.DMA,
            pltpu.SemaphoreType.DMA,
            pltpu.SemaphoreType.DMA,
        ],
        compiler_params=pltpu.CompilerParams(needs_layout_passes=False,
                                             use_tc_tiling_on_sc=False),
    )(_sc_body)
    c_part = sc_fn(gtt, gt_node_corr_overlaps, qr, qs)

    res = pl.pallas_call(
        _tc_combine_body,
        out_shape=jax.ShapeDtypeStruct((5,), jnp.float32),
    )(c_part, fine)
    return res

# --- scband reference (transcript-rebuilt; emitter-appended) ---
"""Pipeline reference for scband-evaluator-61649960566964 (READ-ONLY COPY).

The authoritative reference and input builder live on the scoring server;
editing this copy changes nothing except your own understanding.
"""

import jax, jax.numpy as jnp
import numpy as np

ACCEPTANCE_OVERLAP = 0.0
ACCEPTANCE_RADIUS = 0.1
RRE_THRESHOLD = 15.0
RTE_THRESHOLD = 0.3


def apply_transform(points, transform):
    rotation = transform[:3, :3]
    translation = transform[:3, 3]
    return points @ rotation.T + translation


def isotropic_transform_error(gt_transform, est_transform):
    R_gt = gt_transform[:3, :3]
    t_gt = gt_transform[:3, 3]
    R_est = est_transform[:3, :3]
    t_est = est_transform[:3, 3]
    trace = jnp.trace(R_gt.T @ R_est)
    x = jnp.clip((trace - 1.0) / 2.0, -1.0, 1.0)
    rre = jnp.degrees(jnp.arccos(x))
    rte = jnp.linalg.norm(t_gt - t_est)
    return rre, rte


def setup_inputs(seed: int = 0) -> dict:
    key = jax.random.key(seed)
    ks = jax.random.split(key, 10)
    N_ref, N_src, M, K, P = 2048, 2048, 8192, 4096, 30000
    return {
        'ref_points_c': jax.random.normal(ks[0], (N_ref, 3), dtype=jnp.float32),
        'src_points_c': jax.random.normal(ks[1], (N_src, 3), dtype=jnp.float32),
        'gt_node_corr_overlaps': jax.random.uniform(ks[2], (M,), dtype=jnp.float32),
        'gt_node_corr_indices': jax.random.randint(ks[3], (M, 2), 0, 2048, dtype=jnp.int64) if jax.config.read('jax_enable_x64') else jax.random.randint(ks[3], (M, 2), 0, 2048).astype(jnp.int32),
        'ref_node_corr_indices': jax.random.randint(ks[4], (K,), 0, N_ref).astype(jnp.int32),
        'src_node_corr_indices': jax.random.randint(ks[5], (K,), 0, N_src).astype(jnp.int32),
        'ref_corr_points': jax.random.normal(ks[6], (P, 3), dtype=jnp.float32),
        'src_corr_points': jax.random.normal(ks[7], (P, 3), dtype=jnp.float32),
        'transform': jax.random.normal(ks[8], (4, 4), dtype=jnp.float32),
        'estimated_transform': jax.random.normal(ks[9], (4, 4), dtype=jnp.float32),
    }


def reference(ref_points_c, src_points_c, gt_node_corr_overlaps, gt_node_corr_indices,
              ref_node_corr_indices, src_node_corr_indices, ref_corr_points,
              src_corr_points, transform, estimated_transform):
    ref_length_c = ref_points_c.shape[0]
    src_length_c = src_points_c.shape[0]
    # coarse precision: boolean mask folded into scatter via max (0/1 values)
    masks = (gt_node_corr_overlaps > ACCEPTANCE_OVERLAP).astype(jnp.float32)
    gt_ref_idx = gt_node_corr_indices[:, 0]
    gt_src_idx = gt_node_corr_indices[:, 1]
    gt_node_corr_map = jnp.zeros((ref_length_c, src_length_c), dtype=jnp.float32)
    gt_node_corr_map = gt_node_corr_map.at[gt_ref_idx, gt_src_idx].max(masks)
    c_precision = gt_node_corr_map[ref_node_corr_indices, src_node_corr_indices].mean()
    # fine precision
    src_corr_t = apply_transform(src_corr_points, transform)
    corr_distances = jnp.linalg.norm(ref_corr_points - src_corr_t, axis=1)
    f_precision = (corr_distances < ACCEPTANCE_RADIUS).astype(jnp.float32).mean()
    # registration error
    rre, rte = isotropic_transform_error(transform, estimated_transform)
    recall = jnp.logical_and(rre < RRE_THRESHOLD, rte < RTE_THRESHOLD).astype(jnp.float32)
    return jnp.stack([c_precision, f_precision, rre, rte, recall])

if __name__ == "__main__":
    import jax
    _d = setup_inputs()
    print(jax.jit(kernel)(*tuple(_d.values())))

</pallas_src>

<mosaic_0001>
#map = affine_map<(d0, d1) -> (0, 0)>
#map1 = affine_map<(d0, d1) -> (0)>
module attributes {stable_mosaic.version = 14 : i64} {
  func.func @_sc_body(%arg0: i32, %arg1: i32, %arg2: memref<2x8192xi32, #tpu.memory_space<hbm>>, %arg3: memref<8192xf32, #tpu.memory_space<hbm>>, %arg4: memref<4096xi32, #tpu.memory_space<hbm>>, %arg5: memref<4096xi32, #tpu.memory_space<hbm>>, %arg6: memref<512xf32, #tpu.memory_space<hbm>>, %arg7: memref<8192xi32, #tpu.memory_space<vmem>>, %arg8: memref<8192xi32, #tpu.memory_space<vmem>>, %arg9: memref<8192xf32, #tpu.memory_space<vmem>>, %arg10: memref<8192xi32, #tpu.memory_space<vmem>>, %arg11: memref<4096xi32, #tpu.memory_space<vmem>>, %arg12: memref<4096xi32, #tpu.memory_space<vmem>>, %arg13: memref<4096xi32, #tpu.memory_space<vmem>>, %arg14: memref<65536xf32, #tpu.memory_space<vmem>>, %arg15: memref<16xf32, #tpu.memory_space<vmem>>, %arg16: memref<!tpu.dma_semaphore, #tpu.memory_space<semaphore_mem>>, %arg17: memref<!tpu.dma_semaphore, #tpu.memory_space<semaphore_mem>>, %arg18: memref<!tpu.dma_semaphore, #tpu.memory_space<semaphore_mem>>) attributes {dimension_semantics = [#tpu.dimension_semantics<core_parallel>, #tpu.dimension_semantics<subcore_parallel>], iteration_bounds = array<i64: 2, 16>, scalar_prefetch = 0 : i64, scratch_operands = 12 : i64, tpu.core_type = #tpu.core_type<sc_vector_subcore>, window_params = [{transform_indices = #map}, {transform_indices = #map1}, {transform_indices = #map1}, {transform_indices = #map1}, {transform_indices = #map1}]} {
    %mul3A = arith.constant 2 : i32
    %mul3A_0 = arith.muli %arg1, %mul3A : i32
    %add3A = arith.addi %mul3A_0, %arg0 : i32
    %dma_start3A = arith.constant 0 : i32
    %dma_start3A_1 = arith.constant 0 : i32
    %dma_start3A_2 = tpu.memref_slice %arg7[%dma_start3A_1] : memref<8192xi32, #tpu.memory_space<vmem>> -> memref<4096xi32, #tpu.memory_space<vmem>>
    %dma_start3A_3 = arith.constant 0 : i32
    %dma_start3A_4 = tpu.memref_slice %arg2[%dma_start3A, %dma_start3A_3] : memref<2x8192xi32, #tpu.memory_space<hbm>> -> memref<1x4096xi32, #tpu.memory_space<hbm>>
    %dma_start3A_5 = tpu.memref_squeeze %dma_start3A_4 : memref<1x4096xi32, #tpu.memory_space<hbm>> -> memref<4096xi32, #tpu.memory_space<hbm>>
    %dma_start3A_6 = arith.constant 0 : i32
    %dma_start3A_7 = tpu.memref_slice %arg7[%dma_start3A_6] : memref<8192xi32, #tpu.memory_space<vmem>> -> memref<4096xi32, #tpu.memory_space<vmem>>
    %dma_start3A_8 = arith.constant 0 : i32
    %dma_start3A_9 = tpu.memref_slice %arg2[%dma_start3A, %dma_start3A_8] : memref<2x8192xi32, #tpu.memory_space<hbm>> -> memref<1x4096xi32, #tpu.memory_space<hbm>>
    %dma_start3A_10 = tpu.memref_squeeze %dma_start3A_9 : memref<1x4096xi32, #tpu.memory_space<hbm>> -> memref<4096xi32, #tpu.memory_space<hbm>>
    tpu.enqueue_dma source(%dma_start3A_10 : memref<4096xi32, #tpu.memory_space<hbm>>) target(%dma_start3A_7 : memref<4096xi32, #tpu.memory_space<vmem>>) target_semaphore(%arg16 : memref<!tpu.dma_semaphore, #tpu.memory_space<semaphore_mem>>)
    %dma_start3A_11 = arith.constant 1 : i32
    %dma_start3A_12 = arith.constant 0 : i32
    %dma_start3A_13 = tpu.memref_slice %arg8[%dma_start3A_12] : memref<8192xi32, #tpu.memory_space<vmem>> -> memref<4096xi32, #tpu.memory_space<vmem>>
    %dma_start3A_14 = arith.constant 0 : i32
    %dma_start3A_15 = tpu.memref_slice %arg2[%dma_start3A_11, %dma_start3A_14] : memref<2x8192xi32, #tpu.memory_space<hbm>> -> memref<1x4096xi32, #tpu.memory_space<hbm>>
    %dma_start3A_16 = tpu.memref_squeeze %dma_start3A_15 : memref<1x4096xi32, #tpu.memory_space<hbm>> -> memref<4096xi32, #tpu.memory_space<hbm>>
    %dma_start3A_17 = arith.constant 0 : i32
    %dma_start3A_18 = tpu.memref_slice %arg8[%dma_start3A_17] : memref<8192xi32, #tpu.memory_space<vmem>> -> memref<4096xi32, #tpu.memory_space<vmem>>
    %dma_start3A_19 = arith.constant 0 : i32
    %dma_start3A_20 = tpu.memref_slice %arg2[%dma_start3A_11, %dma_start3A_19] : memref<2x8192xi32, #tpu.memory_space<hbm>> -> memref<1x4096xi32, #tpu.memory_space<hbm>>
    %dma_start3A_21 = tpu.memref_squeeze %dma_start3A_20 : memref<1x4096xi32, #tpu.memory_space<hbm>> -> memref<4096xi32, #tpu.memory_space<hbm>>
    tpu.enqueue_dma source(%dma_start3A_21 : memref<4096xi32, #tpu.memory_space<hbm>>) target(%dma_start3A_18 : memref<4096xi32, #tpu.memory_space<vmem>>) target_semaphore(%arg16 : memref<!tpu.dma_semaphore, #tpu.memory_space<semaphore_mem>>)
    %dma_start3A_22 = arith.constant 0 : i32
    %dma_start3A_23 = tpu.memref_slice %arg9[%dma_start3A_22] : memref<8192xf32, #tpu.memory_space<vmem>> -> memref<4096xf32, #tpu.memory_space<vmem>>
    %dma_start3A_24 = arith.constant 0 : i32
    %dma_start3A_25 = tpu.memref_slice %arg3[%dma_start3A_24] : memref<8192xf32, #tpu.memory_space<hbm>> -> memref<4096xf32, #tpu.memory_space<hbm>>
    %dma_start3A_26 = arith.constant 0 : i32
    %dma_start3A_27 = tpu.memref_slice %arg9[%dma_start3A_26] : memref<8192xf32, #tpu.memory_space<vmem>> -> memref<4096xf32, #tpu.memory_space<vmem>>
    %dma_start3A_28 = arith.constant 0 : i32
    %dma_start3A_29 = tpu.memref_slice %arg3[%dma_start3A_28] : memref<8192xf32, #tpu.memory_space<hbm>> -> memref<4096xf32, #tpu.memory_space<hbm>>
    tpu.enqueue_dma source(%dma_start3A_29 : memref<4096xf32, #tpu.memory_space<hbm>>) target(%dma_start3A_27 : memref<4096xf32, #tpu.memory_space<vmem>>) target_semaphore(%arg16 : memref<!tpu.dma_semaphore, #tpu.memory_space<semaphore_mem>>)
    %dma_start3A_30 = arith.constant 0 : i32
    %dma_start3A_31 = arith.constant 4096 : i32
    %dma_start3A_32 = tpu.memref_slice %arg7[%dma_start3A_31] : memref<8192xi32, #tpu.memory_space<vmem>> -> memref<4096xi32, #tpu.memory_space<vmem>>
    %dma_start3A_33 = arith.constant 4096 : i32
    %dma_start3A_34 = tpu.memref_slice %arg2[%dma_start3A_30, %dma_start3A_33] : memref<2x8192xi32, #tpu.memory_space<hbm>> -> memref<1x4096xi32, #tpu.memory_space<hbm>>
    %dma_start3A_35 = tpu.memref_squeeze %dma_start3A_34 : memref<1x4096xi32, #tpu.memory_space<hbm>> -> memref<4096xi32, #tpu.memory_space<hbm>>
    %dma_start3A_36 = arith.constant 4096 : i32
    %dma_start3A_37 = tpu.memref_slice %arg7[%dma_start3A_36] : memref<8192xi32, #tpu.memory_space<vmem>> -> memref<4096xi32, #tpu.memory_space<vmem>>
    %dma_start3A_38 = arith.constant 4096 : i32
    %dma_start3A_39 = tpu.memref_slice %arg2[%dma_start3A_30, %dma_start3A_38] : memref<2x8192xi32, #tpu.memory_space<hbm>> -> memref<1x4096xi32, #tpu.memory_space<hbm>>
    %dma_start3A_40 = tpu.memref_squeeze %dma_start3A_39 : memref<1x4096xi32, #tpu.memory_space<hbm>> -> memref<4096xi32, #tpu.memory_space<hbm>>
    tpu.enqueue_dma source(%dma_start3A_40 : memref<4096xi32, #tpu.memory_space<hbm>>) target(%dma_start3A_37 : memref<4096xi32, #tpu.memory_space<vmem>>) target_semaphore(%arg17 : memref<!tpu.dma_semaphore, #tpu.memory_space<semaphore_mem>>)
    %dma_start3A_41 = arith.constant 1 : i32
    %dma_start3A_42 = arith.constant 4096 : i32
    %dma_start3A_43 = tpu.memref_slice %arg8[%dma_start3A_42] : memref<8192xi32, #tpu.memory_space<vmem>> -> memref<4096xi32, #tpu.memory_space<vmem>>
    %dma_start3A_44 = arith.constant 4096 : i32
    %dma_start3A_45 = tpu.memref_slice %arg2[%dma_start3A_41, %dma_start3A_44] : memref<2x8192xi32, #tpu.memory_space<hbm>> -> memref<1x4096xi32, #tpu.memory_space<hbm>>
    %dma_start3A_46 = tpu.memref_squeeze %dma_start3A_45 : memref<1x4096xi32, #tpu.memory_space<hbm>> -> memref<4096xi32, #tpu.memory_space<hbm>>
    %dma_start3A_47 = arith.constant 4096 : i32
    %dma_start3A_48 = tpu.memref_slice %arg8[%dma_start3A_47] : memref<8192xi32, #tpu.memory_space<vmem>> -> memref<4096xi32, #tpu.memory_space<vmem>>
    %dma_start3A_49 = arith.constant 4096 : i32
    %dma_start3A_50 = tpu.memref_slice %arg2[%dma_start3A_41, %dma_start3A_49] : memref<2x8192xi32, #tpu.memory_space<hbm>> -> memref<1x4096xi32, #tpu.memory_space<hbm>>
    %dma_start3A_51 = tpu.memref_squeeze %dma_start3A_50 : memref<1x4096xi32, #tpu.memory_space<hbm>> -> memref<4096xi32, #tpu.memory_space<hbm>>
    tpu.enqueue_dma source(%dma_start3A_51 : memref<4096xi32, #tpu.memory_space<hbm>>) target(%dma_start3A_48 : memref<4096xi32, #tpu.memory_space<vmem>>) target_semaphore(%arg17 : memref<!tpu.dma_semaphore, #tpu.memory_space<semaphore_mem>>)
    %dma_start3A_52 = arith.constant 4096 : i32
    %dma_start3A_53 = tpu.memref_slice %arg9[%dma_start3A_52] : memref<8192xf32, #tpu.memory_space<vmem>> -> memref<4096xf32, #tpu.memory_space<vmem>>
    %dma_start3A_54 = arith.constant 4096 : i32
    %dma_start3A_55 = tpu.memref_slice %arg3[%dma_start3A_54] : memref<8192xf32, #tpu.memory_space<hbm>> -> memref<4096xf32, #tpu.memory_space<hbm>>
    %dma_start3A_56 = arith.constant 4096 : i32
    %dma_start3A_57 = tpu.memref_slice %arg9[%dma_start3A_56] : memref<8192xf32, #tpu.memory_space<vmem>> -> memref<4096xf32, #tpu.memory_space<vmem>>
    %dma_start3A_58 = arith.constant 4096 : i32
    %dma_start3A_59 = tpu.memref_slice %arg3[%dma_start3A_58] : memref<8192xf32, #tpu.memory_space<hbm>> -> memref<4096xf32, #tpu.memory_space<hbm>>
    tpu.enqueue_dma source(%dma_start3A_59 : memref<4096xf32, #tpu.memory_space<hbm>>) target(%dma_start3A_57 : memref<4096xf32, #tpu.memory_space<vmem>>) target_semaphore(%arg17 : memref<!tpu.dma_semaphore, #tpu.memory_space<semaphore_mem>>)
    tpu.enqueue_dma source(%arg4 : memref<4096xi32, #tpu.memory_space<hbm>>) target(%arg11 : memref<4096xi32, #tpu.memory_space<vmem>>) target_semaphore(%arg18 : memref<!tpu.dma_semaphore, #tpu.memory_space<semaphore_mem>>)
    tpu.enqueue_dma source(%arg5 : memref<4096xi32, #tpu.memory_space<hbm>>) target(%arg12 : memref<4096xi32, #tpu.memory_space<vmem>>) target_semaphore(%arg18 : memref<!tpu.dma_semaphore, #tpu.memory_space<semaphore_mem>>)
    %broadcast_in_dim3A = arith.constant 0.000000e+00 : f32
    %broadcast_in_dim3A_60 = vector.broadcast %broadcast_in_dim3A : f32 to vector<16xf32>
    %broadcast_in_dim3A_61 = arith.constant 1.000000e+00 : f32
    %broadcast_in_dim3A_62 = vector.broadcast %broadcast_in_dim3A_61 : f32 to vector<16xf32>
    %broadcast_in_dim3A_63 = arith.constant 0 : i32
    %broadcast_in_dim3A_64 = vector.broadcast %broadcast_in_dim3A_63 : i32 to vector<16xi32>
    %iota3A = tpu.iota {dimensions = array<i32: 0>} : vector<16xi32>
    %mul3A_65 = arith.constant 131072 : i32
    %mul3A_66 = arith.muli %add3A, %mul3A_65 : i32
    %mul3A_67 = arith.constant 512 : i32
    %mul3A_68 = vector.broadcast %mul3A_67 : i32 to vector<16xi32>
    %mul3A_69 = arith.muli %iota3A, %mul3A_68 : vector<16xi32>
    %mul3A_70 = arith.constant 256 : i32
    %mul3A_71 = vector.broadcast %mul3A_70 : i32 to vector<16xi32>
    %mul3A_72 = arith.muli %iota3A, %mul3A_71 : vector<16xi32>
    %dma_wait3A = arith.constant 0 : i32
    %dma_wait3A_73 = arith.constant 0 : i32
    %dma_wait3A_74 = tpu.memref_slice %arg7[%dma_wait3A_73] : memref<8192xi32, #tpu.memory_space<vmem>> -> memref<4096xi32, #tpu.memory_space<vmem>>
    %dma_wait3A_75 = arith.constant 0 : i32
    %dma_wait3A_76 = tpu.memref_slice %arg2[%dma_wait3A, %dma_wait3A_75] : memref<2x8192xi32, #tpu.memory_space<hbm>> -> memref<1x4096xi32, #tpu.memory_space<hbm>>
    %dma_wait3A_77 = tpu.memref_squeeze %dma_wait3A_76 : memref<1x4096xi32, #tpu.memory_space<hbm>> -> memref<4096xi32, #tpu.memory_space<hbm>>
    %dma_wait3A_78 = arith.constant 0 : i32
    %dma_wait3A_79 = tpu.memref_slice %arg7[%dma_wait3A_78] : memref<8192xi32, #tpu.memory_space<vmem>> -> memref<4096xi32, #tpu.memory_space<vmem>>
    %dma_wait3A_80 = arith.constant 0 : i32
    %dma_wait3A_81 = tpu.memref_slice %arg2[%dma_wait3A, %dma_wait3A_80] : memref<2x8192xi32, #tpu.memory_space<hbm>> -> memref<1x4096xi32, #tpu.memory_space<hbm>>
    %dma_wait3A_82 = tpu.memref_squeeze %dma_wait3A_81 : memref<1x4096xi32, #tpu.memory_space<hbm>> -> memref<4096xi32, #tpu.memory_space<hbm>>
    tpu.wait_dma2 semaphore(%arg16 : memref<!tpu.dma_semaphore, #tpu.memory_space<semaphore_mem>>) src(%dma_wait3A_82 : memref<4096xi32, #tpu.memory_space<hbm>>) dst(%dma_wait3A_79 : memref<4096xi32, #tpu.memory_space<vmem>>)
    %dma_wait3A_83 = arith.constant 1 : i32
    %dma_wait3A_84 = arith.constant 0 : i32
    %dma_wait3A_85 = tpu.memref_slice %arg8[%dma_wait3A_84] : memref<8192xi32, #tpu.memory_space<vmem>> -> memref<4096xi32, #tpu.memory_space<vmem>>
    %dma_wait3A_86 = arith.constant 0 : i32
    %dma_wait3A_87 = tpu.memref_slice %arg2[%dma_wait3A_83, %dma_wait3A_86] : memref<2x8192xi32, #tpu.memory_space<hbm>> -> memref<1x4096xi32, #tpu.memory_space<hbm>>
    %dma_wait3A_88 = tpu.memref_squeeze %dma_wait3A_87 : memref<1x4096xi32, #tpu.memory_space<hbm>> -> memref<4096xi32, #tpu.memory_space<hbm>>
    %dma_wait3A_89 = arith.constant 0 : i32
    %dma_wait3A_90 = tpu.memref_slice %arg8[%dma_wait3A_89] : memref<8192xi32, #tpu.memory_space<vmem>> -> memref<4096xi32, #tpu.memory_space<vmem>>
    %dma_wait3A_91 = arith.constant 0 : i32
    %dma_wait3A_92 = tpu.memref_slice %arg2[%dma_wait3A_83, %dma_wait3A_91] : memref<2x8192xi32, #tpu.memory_space<hbm>> -> memref<1x4096xi32, #tpu.memory_space<hbm>>
    %dma_wait3A_93 = tpu.memref_squeeze %dma_wait3A_92 : memref<1x4096xi32, #tpu.memory_space<hbm>> -> memref<4096xi32, #tpu.memory_space<hbm>>
    tpu.wait_dma2 semaphore(%arg16 : memref<!tpu.dma_semaphore, #tpu.memory_space<semaphore_mem>>) src(%dma_wait3A_93 : memref<4096xi32, #tpu.memory_space<hbm>>) dst(%dma_wait3A_90 : memref<4096xi32, #tpu.memory_space<vmem>>)
    %dma_wait3A_94 = arith.constant 0 : i32
    %dma_wait3A_95 = tpu.memref_slice %arg9[%dma_wait3A_94] : memref<8192xf32, #tpu.memory_space<vmem>> -> memref<4096xf32, #tpu.memory_space<vmem>>
    %dma_wait3A_96 = arith.constant 0 : i32
    %dma_wait3A_97 = tpu.memref_slice %arg3[%dma_wait3A_96] : memref<8192xf32, #tpu.memory_space<hbm>> -> memref<4096xf32, #tpu.memory_space<hbm>>
    %dma_wait3A_98 = arith.constant 0 : i32
    %dma_wait3A_99 = tpu.memref_slice %arg9[%dma_wait3A_98] : memref<8192xf32, #tpu.memory_space<vmem>> -> memref<4096xf32, #tpu.memory_space<vmem>>
    %dma_wait3A_100 = arith.constant 0 : i32
    %dma_wait3A_101 = tpu.memref_slice %arg3[%dma_wait3A_100] : memref<8192xf32, #tpu.memory_space<hbm>> -> memref<4096xf32, #tpu.memory_space<hbm>>
    tpu.wait_dma2 semaphore(%arg16 : memref<!tpu.dma_semaphore, #tpu.memory_space<semaphore_mem>>) src(%dma_wait3A_101 : memref<4096xf32, #tpu.memory_space<hbm>>) dst(%dma_wait3A_99 : memref<4096xf32, #tpu.memory_space<vmem>>)
    %scan3A = arith.constant 131072 : i32
    %scan3A_102 = arith.constant 0 : i32
    %scan3A_103 = arith.constant 32 : i32
    %scan3A_104 = arith.addi %scan3A_102, %scan3A_103 : i32
    %scan3A_105 = arith.constant 1 : i32
    %scan3A_106 = scf.for %scan3A_245 = %scan3A_102 to %scan3A_104 step %scan3A_105 iter_args(%scan3A_246 = %broadcast_in_dim3A_64) -> (vector<16xi32>)  : i32 {
      %mul3A_247 = arith.constant 8 : i32
      %mul3A_248 = arith.muli %scan3A_245, %mul3A_247 : i32
      %add3A_249 = arith.constant 0 : i32
      %add3A_250 = arith.addi %mul3A_248, %add3A_249 : i32
      %mul3A_251 = arith.constant 16 : i32
      %mul3A_252 = arith.muli %add3A_250, %mul3A_251 : i32
      %add3A_253 = arith.constant 0 : i32
      %add3A_254 = arith.addi %add3A_253, %mul3A_252 : i32
      %get3A = arith.index_cast %add3A_254 : i32 to index
      %get3A_255 = tpu.vector_load %arg7[%get3A] {strides = array<i32>} : memref<8192xi32, #tpu.memory_space<vmem>>, vector<16xi32>,
      %get3A_256 = arith.index_cast %add3A_254 : i32 to index
      %get3A_257 = tpu.vector_load %arg8[%get3A_256] {strides = array<i32>} : memref<8192xi32, #tpu.memory_space<vmem>>, vector<16xi32>,
      %get3A_258 = arith.index_cast %add3A_254 : i32 to index
      %get3A_259 = tpu.vector_load %arg9[%get3A_258] {strides = array<i32>} : memref<8192xf32, #tpu.memory_space<vmem>>, vector<16xf32>,
      %mul3A_260 = arith.constant 2048 : i32
      %mul3A_261 = vector.broadcast %mul3A_260 : i32 to vector<16xi32>
      %mul3A_262 = arith.muli %get3A_255, %mul3A_261 : vector<16xi32>
      %add3A_263 = arith.addi %mul3A_262, %get3A_257 : vector<16xi32>
      %sub3A = vector.broadcast %mul3A_66 : i32 to vector<16xi32>
      %sub3A_264 = arith.subi %add3A_263, %sub3A : vector<16xi32>
      %gt3A = arith.constant 0.000000e+00 : f32
      %gt3A_265 = vector.broadcast %gt3A : f32 to vector<16xf32>
      %gt3A_266 = arith.cmpf ogt, %get3A_259, %gt3A_265 : vector<16xf32>
      %bitcast3A = vector.bitcast %sub3A_264 : vector<16xi32> to vector<16xi32>
      %lt3A = vector.broadcast %scan3A : i32 to vector<16xi32>
      %lt3A_267 = arith.cmpi ult, %bitcast3A, %lt3A : vector<16xi32>
      %and3A = arith.andi %gt3A_266, %lt3A_267 : vector<16xi1>
      %mul3A_268 = arith.constant 8 : i32
      %mul3A_269 = arith.muli %scan3A_245, %mul3A_268 : i32
      %add3A_270 = arith.constant 1 : i32
      %add3A_271 = arith.addi %mul3A_269, %add3A_270 : i32
      %mul3A_272 = arith.constant 16 : i32
      %mul3A_273 = arith.muli %add3A_271, %mul3A_272 : i32
      %add3A_274 = arith.constant 0 : i32
      %add3A_275 = arith.addi %add3A_274, %mul3A_273 : i32
      %get3A_276 = arith.index_cast %add3A_275 : i32 to index
      %get3A_277 = tpu.vector_load %arg7[%get3A_276] {strides = array<i32>} : memref<8192xi32, #tpu.memory_space<vmem>>, vector<16xi32>,
      %get3A_278 = arith.index_cast %add3A_275 : i32 to index
      %get3A_279 = tpu.vector_load %arg8[%get3A_278] {strides = array<i32>} : memref<8192xi32, #tpu.memory_space<vmem>>, vector<16xi32>,
      %get3A_280 = arith.index_cast %add3A_275 : i32 to index
      %get3A_281 = tpu.vector_load %arg9[%get3A_280] {strides = array<i32>} : memref<8192xf32, #tpu.memory_space<vmem>>, vector<16xf32>,
      %mul3A_282 = arith.constant 2048 : i32
      %mul3A_283 = vector.broadcast %mul3A_282 : i32 to vector<16xi32>
      %mul3A_284 = arith.muli %get3A_277, %mul3A_283 : vector<16xi32>
      %add3A_285 = arith.addi %mul3A_284, %get3A_279 : vector<16xi32>
      %sub3A_286 = vector.broadcast %mul3A_66 : i32 to vector<16xi32>
      %sub3A_287 = arith.subi %add3A_285, %sub3A_286 : vector<16xi32>
      %gt3A_288 = arith.constant 0.000000e+00 : f32
      %gt3A_289 = vector.broadcast %gt3A_288 : f32 to vector<16xf32>
      %gt3A_290 = arith.cmpf ogt, %get3A_281, %gt3A_289 : vector<16xf32>
      %bitcast3A_291 = vector.bitcast %sub3A_287 : vector<16xi32> to vector<16xi32>
      %lt3A_292 = vector.broadcast %scan3A : i32 to vector<16xi32>
      %lt3A_293 = arith.cmpi ult, %bitcast3A_291, %lt3A_292 : vector<16xi32>
      %and3A_294 = arith.andi %gt3A_290, %lt3A_293 : vector<16xi1>
      %mul3A_295 = arith.constant 8 : i32
      %mul3A_296 = arith.muli %scan3A_245, %mul3A_295 : i32
      %add3A_297 = arith.constant 2 : i32
      %add3A_298 = arith.addi %mul3A_296, %add3A_297 : i32
      %mul3A_299 = arith.constant 16 : i32
      %mul3A_300 = arith.muli %add3A_298, %mul3A_299 : i32
      %add3A_301 = arith.constant 0 : i32
      %add3A_302 = arith.addi %add3A_301, %mul3A_300 : i32
      %get3A_303 = arith.index_cast %add3A_302 : i32 to index
      %get3A_304 = tpu.vector_load %arg7[%get3A_303] {strides = array<i32>} : memref<8192xi32, #tpu.memory_space<vmem>>, vector<16xi32>,
      %get3A_305 = arith.index_cast %add3A_302 : i32 to index
      %get3A_306 = tpu.vector_load %arg8[%get3A_305] {strides = array<i32>} : memref<8192xi32, #tpu.memory_space<vmem>>, vector<16xi32>,
      %get3A_307 = arith.index_cast %add3A_302 : i32 to index
      %get3A_308 = tpu.vector_load %arg9[%get3A_307] {strides = array<i32>} : memref<8192xf32, #tpu.memory_space<vmem>>, vector<16xf32>,
      %mul3A_309 = arith.constant 2048 : i32
      %mul3A_310 = vector.broadcast %mul3A_309 : i32 to vector<16xi32>
      %mul3A_311 = arith.muli %get3A_304, %mul3A_310 : vector<16xi32>
      %add3A_312 = arith.addi %mul3A_311, %get3A_306 : vector<16xi32>
      %sub3A_313 = vector.broadcast %mul3A_66 : i32 to vector<16xi32>
      %sub3A_314 = arith.subi %add3A_312, %sub3A_313 : vector<16xi32>
      %gt3A_315 = arith.constant 0.000000e+00 : f32
      %gt3A_316 = vector.broadcast %gt3A_315 : f32 to vector<16xf32>
      %gt3A_317 = arith.cmpf ogt, %get3A_308, %gt3A_316 : vector<16xf32>
      %bitcast3A_318 = vector.bitcast %sub3A_314 : vector<16xi32> to vector<16xi32>
      %lt3A_319 = vector.broadcast %scan3A : i32 to vector<16xi32>
      %lt3A_320 = arith.cmpi ult, %bitcast3A_318, %lt3A_319 : vector<16xi32>
      %and3A_321 = arith.andi %gt3A_317, %lt3A_320 : vector<16xi1>
      %mul3A_322 = arith.constant 8 : i32
      %mul3A_323 = arith.muli %scan3A_245, %mul3A_322 : i32
      %add3A_324 = arith.constant 3 : i32
      %add3A_325 = arith.addi %mul3A_323, %add3A_324 : i32
      %mul3A_326 = arith.constant 16 : i32
      %mul3A_327 = arith.muli %add3A_325, %mul3A_326 : i32
      %add3A_328 = arith.constant 0 : i32
      %add3A_329 = arith.addi %add3A_328, %mul3A_327 : i32
      %get3A_330 = arith.index_cast %add3A_329 : i32 to index
      %get3A_331 = tpu.vector_load %arg7[%get3A_330] {strides = array<i32>} : memref<8192xi32, #tpu.memory_space<vmem>>, vector<16xi32>,
      %get3A_332 = arith.index_cast %add3A_329 : i32 to index
      %get3A_333 = tpu.vector_load %arg8[%get3A_332] {strides = array<i32>} : memref<8192xi32, #tpu.memory_space<vmem>>, vector<16xi32>,
      %get3A_334 = arith.index_cast %add3A_329 : i32 to index
      %get3A_335 = tpu.vector_load %arg9[%get3A_334] {strides = array<i32>} : memref<8192xf32, #tpu.memory_space<vmem>>, vector<16xf32>,
      %mul3A_336 = arith.constant 2048 : i32
      %mul3A_337 = vector.broadcast %mul3A_336 : i32 to vector<16xi32>
      %mul3A_338 = arith.muli %get3A_331, %mul3A_337 : vector<16xi32>
      %add3A_339 = arith.addi %mul3A_338, %get3A_333 : vector<16xi32>
      %sub3A_340 = vector.broadcast %mul3A_66 : i32 to vector<16xi32>
      %sub3A_341 = arith.subi %add3A_339, %sub3A_340 : vector<16xi32>
      %gt3A_342 = arith.constant 0.000000e+00 : f32
      %gt3A_343 = vector.broadcast %gt3A_342 : f32 to vector<16xf32>
      %gt3A_344 = arith.cmpf ogt, %get3A_335, %gt3A_343 : vector<16xf32>
      %bitcast3A_345 = vector.bitcast %sub3A_341 : vector<16xi32> to vector<16xi32>
      %lt3A_346 = vector.broadcast %scan3A : i32 to vector<16xi32>
      %lt3A_347 = arith.cmpi ult, %bitcast3A_345, %lt3A_346 : vector<16xi32>
      %and3A_348 = arith.andi %gt3A_344, %lt3A_347 : vector<16xi1>
      %mul3A_349 = arith.constant 8 : i32
      %mul3A_350 = arith.muli %scan3A_245, %mul3A_349 : i32
      %add3A_351 = arith.constant 4 : i32
      %add3A_352 = arith.addi %mul3A_350, %add3A_351 : i32
      %mul3A_353 = arith.constant 16 : i32
      %mul3A_354 = arith.muli %add3A_352, %mul3A_353 : i32
      %add3A_355 = arith.constant 0 : i32
      %add3A_356 = arith.addi %add3A_355, %mul3A_354 : i32
      %get3A_357 = arith.index_cast %add3A_356 : i32 to index
      %get3A_358 = tpu.vector_load %arg7[%get3A_357] {strides = array<i32>} : memref<8192xi32, #tpu.memory_space<vmem>>, vector<16xi32>,
      %get3A_359 = arith.index_cast %add3A_356 : i32 to index
      %get3A_360 = tpu.vector_load %arg8[%get3A_359] {strides = array<i32>} : memref<8192xi32, #tpu.memory_space<vmem>>, vector<16xi32>,
      %get3A_361 = arith.index_cast %add3A_356 : i32 to index
      %get3A_362 = tpu.vector_load %arg9[%get3A_361] {strides = array<i32>} : memref<8192xf32, #tpu.memory_space<vmem>>, vector<16xf32>,
      %mul3A_363 = arith.constant 2048 : i32
      %mul3A_364 = vector.broadcast %mul3A_363 : i32 to vector<16xi32>
      %mul3A_365 = arith.muli %get3A_358, %mul3A_364 : vector<16xi32>
      %add3A_366 = arith.addi %mul3A_365, %get3A_360 : vector<16xi32>
      %sub3A_367 = vector.broadcast %mul3A_66 : i32 to vector<16xi32>
      %sub3A_368 = arith.subi %add3A_366, %sub3A_367 : vector<16xi32>
      %gt3A_369 = arith.constant 0.000000e+00 : f32
      %gt3A_370 = vector.broadcast %gt3A_369 : f32 to vector<16xf32>
      %gt3A_371 = arith.cmpf ogt, %get3A_362, %gt3A_370 : vector<16xf32>
      %bitcast3A_372 = vector.bitcast %sub3A_368 : vector<16xi32> to vector<16xi32>
      %lt3A_373 = vector.broadcast %scan3A : i32 to vector<16xi32>
      %lt3A_374 = arith.cmpi ult, %bitcast3A_372, %lt3A_373 : vector<16xi32>
      %and3A_375 = arith.andi %gt3A_371, %lt3A_374 : vector<16xi1>
      %mul3A_376 = arith.constant 8 : i32
      %mul3A_377 = arith.muli %scan3A_245, %mul3A_376 : i32
      %add3A_378 = arith.constant 5 : i32
      %add3A_379 = arith.addi %mul3A_377, %add3A_378 : i32
      %mul3A_380 = arith.constant 16 : i32
      %mul3A_381 = arith.muli %add3A_379, %mul3A_380 : i32
      %add3A_382 = arith.constant 0 : i32
      %add3A_383 = arith.addi %add3A_382, %mul3A_381 : i32
      %get3A_384 = arith.index_cast %add3A_383 : i32 to index
      %get3A_385 = tpu.vector_load %arg7[%get3A_384] {strides = array<i32>} : memref<8192xi32, #tpu.memory_space<vmem>>, vector<16xi32>,
      %get3A_386 = arith.index_cast %add3A_383 : i32 to index
      %get3A_387 = tpu.vector_load %arg8[%get3A_386] {strides = array<i32>} : memref<8192xi32, #tpu.memory_space<vmem>>, vector<16xi32>,
      %get3A_388 = arith.index_cast %add3A_383 : i32 to index
      %get3A_389 = tpu.vector_load %arg9[%get3A_388] {strides = array<i32>} : memref<8192xf32, #tpu.memory_space<vmem>>, vector<16xf32>,
      %mul3A_390 = arith.constant 2048 : i32
      %mul3A_391 = vector.broadcast %mul3A_390 : i32 to vector<16xi32>
      %mul3A_392 = arith.muli %get3A_385, %mul3A_391 : vector<16xi32>
      %add3A_393 = arith.addi %mul3A_392, %get3A_387 : vector<16xi32>
      %sub3A_394 = vector.broadcast %mul3A_66 : i32 to vector<16xi32>
      %sub3A_395 = arith.subi %add3A_393, %sub3A_394 : vector<16xi32>
      %gt3A_396 = arith.constant 0.000000e+00 : f32
      %gt3A_397 = vector.broadcast %gt3A_396 : f32 to vector<16xf32>
      %gt3A_398 = arith.cmpf ogt, %get3A_389, %gt3A_397 : vector<16xf32>
      %bitcast3A_399 = vector.bitcast %sub3A_395 : vector<16xi32> to vector<16xi32>
      %lt3A_400 = vector.broadcast %scan3A : i32 to vector<16xi32>
      %lt3A_401 = arith.cmpi ult, %bitcast3A_399, %lt3A_400 : vector<16xi32>
      %and3A_402 = arith.andi %gt3A_398, %lt3A_401 : vector<16xi1>
      %mul3A_403 = arith.constant 8 : i32
      %mul3A_404 = arith.muli %scan3A_245, %mul3A_403 : i32
      %add3A_405 = arith.constant 6 : i32
      %add3A_406 = arith.addi %mul3A_404, %add3A_405 : i32
      %mul3A_407 = arith.constant 16 : i32
      %mul3A_408 = arith.muli %add3A_406, %mul3A_407 : i32
      %add3A_409 = arith.constant 0 : i32
      %add3A_410 = arith.addi %add3A_409, %mul3A_408 : i32
      %get3A_411 = arith.index_cast %add3A_410 : i32 to index
      %get3A_412 = tpu.vector_load %arg7[%get3A_411] {strides = array<i32>} : memref<8192xi32, #tpu.memory_space<vmem>>, vector<16xi32>,
      %get3A_413 = arith.index_cast %add3A_410 : i32 to index
      %get3A_414 = tpu.vector_load %arg8[%get3A_413] {strides = array<i32>} : memref<8192xi32, #tpu.memory_space<vmem>>, vector<16xi32>,
      %get3A_415 = arith.index_cast %add3A_410 : i32 to index
      %get3A_416 = tpu.vector_load %arg9[%get3A_415] {strides = array<i32>} : memref<8192xf32, #tpu.memory_space<vmem>>, vector<16xf32>,
      %mul3A_417 = arith.constant 2048 : i32
      %mul3A_418 = vector.broadcast %mul3A_417 : i32 to vector<16xi32>
      %mul3A_419 = arith.muli %get3A_412, %mul3A_418 : vector<16xi32>
      %add3A_420 = arith.addi %mul3A_419, %get3A_414 : vector<16xi32>
      %sub3A_421 = vector.broadcast %mul3A_66 : i32 to vector<16xi32>
      %sub3A_422 = arith.subi %add3A_420, %sub3A_421 : vector<16xi32>
      %gt3A_423 = arith.constant 0.000000e+00 : f32
      %gt3A_424 = vector.broadcast %gt3A_423 : f32 to vector<16xf32>
      %gt3A_425 = arith.cmpf ogt, %get3A_416, %gt3A_424 : vector<16xf32>
      %bitcast3A_426 = vector.bitcast %sub3A_422 : vector<16xi32> to vector<16xi32>
      %lt3A_427 = vector.broadcast %scan3A : i32 to vector<16xi32>
      %lt3A_428 = arith.cmpi ult, %bitcast3A_426, %lt3A_427 : vector<16xi32>
      %and3A_429 = arith.andi %gt3A_425, %lt3A_428 : vector<16xi1>
      %mul3A_430 = arith.constant 8 : i32
      %mul3A_431 = arith.muli %scan3A_245, %mul3A_430 : i32
      %add3A_432 = arith.constant 7 : i32
      %add3A_433 = arith.addi %mul3A_431, %add3A_432 : i32
      %mul3A_434 = arith.constant 16 : i32
      %mul3A_435 = arith.muli %add3A_433, %mul3A_434 : i32
      %add3A_436 = arith.constant 0 : i32
      %add3A_437 = arith.addi %add3A_436, %mul3A_435 : i32
      %get3A_438 = arith.index_cast %add3A_437 : i32 to index
      %get3A_439 = tpu.vector_load %arg7[%get3A_438] {strides = array<i32>} : memref<8192xi32, #tpu.memory_space<vmem>>, vector<16xi32>,
      %get3A_440 = arith.index_cast %add3A_437 : i32 to index
      %get3A_441 = tpu.vector_load %arg8[%get3A_440] {strides = array<i32>} : memref<8192xi32, #tpu.memory_space<vmem>>, vector<16xi32>,
      %get3A_442 = arith.index_cast %add3A_437 : i32 to index
      %get3A_443 = tpu.vector_load %arg9[%get3A_442] {strides = array<i32>} : memref<8192xf32, #tpu.memory_space<vmem>>, vector<16xf32>,
      %mul3A_444 = arith.constant 2048 : i32
      %mul3A_445 = vector.broadcast %mul3A_444 : i32 to vector<16xi32>
      %mul3A_446 = arith.muli %get3A_439, %mul3A_445 : vector<16xi32>
      %add3A_447 = arith.addi %mul3A_446, %get3A_441 : vector<16xi32>
      %sub3A_448 = vector.broadcast %mul3A_66 : i32 to vector<16xi32>
      %sub3A_449 = arith.subi %add3A_447, %sub3A_448 : vector<16xi32>
      %gt3A_450 = arith.constant 0.000000e+00 : f32
      %gt3A_451 = vector.broadcast %gt3A_450 : f32 to vector<16xf32>
      %gt3A_452 = arith.cmpf ogt, %get3A_443, %gt3A_451 : vector<16xf32>
      %bitcast3A_453 = vector.bitcast %sub3A_449 : vector<16xi32> to vector<16xi32>
      %lt3A_454 = vector.broadcast %scan3A : i32 to vector<16xi32>
      %lt3A_455 = arith.cmpi ult, %bitcast3A_453, %lt3A_454 : vector<16xi32>
      %and3A_456 = arith.andi %gt3A_452, %lt3A_455 : vector<16xi1>
      %jit3A = arith.constant 1 : i32
      %jit3A_457 = arith.constant 0 : i32
      %broadcast_in_dim3A_458 = vector.broadcast %jit3A : i32 to vector<16xi32>
      %broadcast_in_dim3A_459 = vector.broadcast %jit3A_457 : i32 to vector<16xi32>
      %select_n3A = arith.select %and3A, %broadcast_in_dim3A_458, %broadcast_in_dim3A_459 : vector<16xi1>, vector<16xi32>
      %add3A_460 = arith.addi %scan3A_246, %select_n3A : vector<16xi32>
      %jit3A_461 = arith.constant 1 : i32
      %jit3A_462 = arith.constant 0 : i32
      %broadcast_in_dim3A_463 = vector.broadcast %jit3A_461 : i32 to vector<16xi32>
      %broadcast_in_dim3A_464 = vector.broadcast %jit3A_462 : i32 to vector<16xi32>
      %select_n3A_465 = arith.select %and3A_294, %broadcast_in_dim3A_463, %broadcast_in_dim3A_464 : vector<16xi1>, vector<16xi32>
      %add3A_466 = arith.addi %add3A_460, %select_n3A_465 : vector<16xi32>
      %jit3A_467 = arith.constant 1 : i32
      %jit3A_468 = arith.constant 0 : i32
      %broadcast_in_dim3A_469 = vector.broadcast %jit3A_467 : i32 to vector<16xi32>
      %broadcast_in_dim3A_470 = vector.broadcast %jit3A_468 : i32 to vector<16xi32>
      %select_n3A_471 = arith.select %and3A_321, %broadcast_in_dim3A_469, %broadcast_in_dim3A_470 : vector<16xi1>, vector<16xi32>
      %add3A_472 = arith.addi %add3A_466, %select_n3A_471 : vector<16xi32>
      %jit3A_473 = arith.constant 1 : i32
      %jit3A_474 = arith.constant 0 : i32
      %broadcast_in_dim3A_475 = vector.broadcast %jit3A_473 : i32 to vector<16xi32>
      %broadcast_in_dim3A_476 = vector.broadcast %jit3A_474 : i32 to vector<16xi32>
      %select_n3A_477 = arith.select %and3A_348, %broadcast_in_dim3A_475, %broadcast_in_dim3A_476 : vector<16xi1>, vector<16xi32>
      %add3A_478 = arith.addi %add3A_472, %select_n3A_477 : vector<16xi32>
      %jit3A_479 = arith.constant 1 : i32
      %jit3A_480 = arith.constant 0 : i32
      %broadcast_in_dim3A_481 = vector.broadcast %jit3A_479 : i32 to vector<16xi32>
      %broadcast_in_dim3A_482 = vector.broadcast %jit3A_480 : i32 to vector<16xi32>
      %select_n3A_483 = arith.select %and3A_375, %broadcast_in_dim3A_481, %broadcast_in_dim3A_482 : vector<16xi1>, vector<16xi32>
      %add3A_484 = arith.addi %add3A_478, %select_n3A_483 : vector<16xi32>
      %jit3A_485 = arith.constant 1 : i32
      %jit3A_486 = arith.constant 0 : i32
      %broadcast_in_dim3A_487 = vector.broadcast %jit3A_485 : i32 to vector<16xi32>
      %broadcast_in_dim3A_488 = vector.broadcast %jit3A_486 : i32 to vector<16xi32>
      %select_n3A_489 = arith.select %and3A_402, %broadcast_in_dim3A_487, %broadcast_in_dim3A_488 : vector<16xi1>, vector<16xi32>
      %add3A_490 = arith.addi %add3A_484, %select_n3A_489 : vector<16xi32>
      %jit3A_491 = arith.constant 1 : i32
      %jit3A_492 = arith.constant 0 : i32
      %broadcast_in_dim3A_493 = vector.broadcast %jit3A_491 : i32 to vector<16xi32>
      %broadcast_in_dim3A_494 = vector.broadcast %jit3A_492 : i32 to vector<16xi32>
      %select_n3A_495 = arith.select %and3A_429, %broadcast_in_dim3A_493, %broadcast_in_dim3A_494 : vector<16xi1>, vector<16xi32>
      %add3A_496 = arith.addi %add3A_490, %select_n3A_495 : vector<16xi32>
      %jit3A_497 = arith.constant 1 : i32
      %jit3A_498 = arith.constant 0 : i32
      %broadcast_in_dim3A_499 = vector.broadcast %jit3A_497 : i32 to vector<16xi32>
      %broadcast_in_dim3A_500 = vector.broadcast %jit3A_498 : i32 to vector<16xi32>
      %select_n3A_501 = arith.select %and3A_456, %broadcast_in_dim3A_499, %broadcast_in_dim3A_500 : vector<16xi1>, vector<16xi32>
      %add3A_502 = arith.addi %add3A_496, %select_n3A_501 : vector<16xi32>
      %add3A_503 = arith.addi %mul3A_69, %scan3A_246 : vector<16xi32>
      tpu.vector_store_idx %arg10[%add3A_503], %sub3A_264 masked %and3A : memref<8192xi32, #tpu.memory_space<vmem>>[vector<16xi32>], vector<16xi32>, vector<16xi1>
      %add3A_504 = arith.addi %mul3A_69, %add3A_460 : vector<16xi32>
      tpu.vector_store_idx %arg10[%add3A_504], %sub3A_287 masked %and3A_294 : memref<8192xi32, #tpu.memory_space<vmem>>[vector<16xi32>], vector<16xi32>, vector<16xi1>
      %add3A_505 = arith.addi %mul3A_69, %add3A_466 : vector<16xi32>
      tpu.vector_store_idx %arg10[%add3A_505], %sub3A_314 masked %and3A_321 : memref<8192xi32, #tpu.memory_space<vmem>>[vector<16xi32>], vector<16xi32>, vector<16xi1>
      %add3A_506 = arith.addi %mul3A_69, %add3A_472 : vector<16xi32>
      tpu.vector_store_idx %arg10[%add3A_506], %sub3A_341 masked %and3A_348 : memref<8192xi32, #tpu.memory_space<vmem>>[vector<16xi32>], vector<16xi32>, vector<16xi1>
      %add3A_507 = arith.addi %mul3A_69, %add3A_478 : vector<16xi32>
      tpu.vector_store_idx %arg10[%add3A_507], %sub3A_368 masked %and3A_375 : memref<8192xi32, #tpu.memory_space<vmem>>[vector<16xi32>], vector<16xi32>, vector<16xi1>
      %add3A_508 = arith.addi %mul3A_69, %add3A_484 : vector<16xi32>
      tpu.vector_store_idx %arg10[%add3A_508], %sub3A_395 masked %and3A_402 : memref<8192xi32, #tpu.memory_space<vmem>>[vector<16xi32>], vector<16xi32>, vector<16xi1>
      %add3A_509 = arith.addi %mul3A_69, %add3A_490 : vector<16xi32>
      tpu.vector_store_idx %arg10[%add3A_509], %sub3A_422 masked %and3A_429 : memref<8192xi32, #tpu.memory_space<vmem>>[vector<16xi32>], vector<16xi32>, vector<16xi1>
      %add3A_510 = arith.addi %mul3A_69, %add3A_496 : vector<16xi32>
      tpu.vector_store_idx %arg10[%add3A_510], %sub3A_449 masked %and3A_456 : memref<8192xi32, #tpu.memory_space<vmem>>[vector<16xi32>], vector<16xi32>, vector<16xi1>
      scf.yield %add3A_502 : vector<16xi32>
    }
    %scan3A_107 = arith.constant 32 : i32
    %dma_wait3A_108 = arith.constant 0 : i32
    %dma_wait3A_109 = arith.constant 4096 : i32
    %dma_wait3A_110 = tpu.memref_slice %arg7[%dma_wait3A_109] : memref<8192xi32, #tpu.memory_space<vmem>> -> memref<4096xi32, #tpu.memory_space<vmem>>
    %dma_wait3A_111 = arith.constant 4096 : i32
    %dma_wait3A_112 = tpu.memref_slice %arg2[%dma_wait3A_108, %dma_wait3A_111] : memref<2x8192xi32, #tpu.memory_space<hbm>> -> memref<1x4096xi32, #tpu.memory_space<hbm>>
    %dma_wait3A_113 = tpu.memref_squeeze %dma_wait3A_112 : memref<1x4096xi32, #tpu.memory_space<hbm>> -> memref<4096xi32, #tpu.memory_space<hbm>>
    %dma_wait3A_114 = arith.constant 4096 : i32
    %dma_wait3A_115 = tpu.memref_slice %arg7[%dma_wait3A_114] : memref<8192xi32, #tpu.memory_space<vmem>> -> memref<4096xi32, #tpu.memory_space<vmem>>
    %dma_wait3A_116 = arith.constant 4096 : i32
    %dma_wait3A_117 = tpu.memref_slice %arg2[%dma_wait3A_108, %dma_wait3A_116] : memref<2x8192xi32, #tpu.memory_space<hbm>> -> memref<1x4096xi32, #tpu.memory_space<hbm>>
    %dma_wait3A_118 = tpu.memref_squeeze %dma_wait3A_117 : memref<1x4096xi32, #tpu.memory_space<hbm>> -> memref<4096xi32, #tpu.memory_space<hbm>>
    tpu.wait_dma2 semaphore(%arg17 : memref<!tpu.dma_semaphore, #tpu.memory_space<semaphore_mem>>) src(%dma_wait3A_118 : memref<4096xi32, #tpu.memory_space<hbm>>) dst(%dma_wait3A_115 : memref<4096xi32, #tpu.memory_space<vmem>>)
    %dma_wait3A_119 = arith.constant 1 : i32
    %dma_wait3A_120 = arith.constant 4096 : i32
    %dma_wait3A_121 = tpu.memref_slice %arg8[%dma_wait3A_120] : memref<8192xi32, #tpu.memory_space<vmem>> -> memref<4096xi32, #tpu.memory_space<vmem>>
    %dma_wait3A_122 = arith.constant 4096 : i32
    %dma_wait3A_123 = tpu.memref_slice %arg2[%dma_wait3A_119, %dma_wait3A_122] : memref<2x8192xi32, #tpu.memory_space<hbm>> -> memref<1x4096xi32, #tpu.memory_space<hbm>>
    %dma_wait3A_124 = tpu.memref_squeeze %dma_wait3A_123 : memref<1x4096xi32, #tpu.memory_space<hbm>> -> memref<4096xi32, #tpu.memory_space<hbm>>
    %dma_wait3A_125 = arith.constant 4096 : i32
    %dma_wait3A_126 = tpu.memref_slice %arg8[%dma_wait3A_125] : memref<8192xi32, #tpu.memory_space<vmem>> -> memref<4096xi32, #tpu.memory_space<vmem>>
    %dma_wait3A_127 = arith.constant 4096 : i32
    %dma_wait3A_128 = tpu.memref_slice %arg2[%dma_wait3A_119, %dma_wait3A_127] : memref<2x8192xi32, #tpu.memory_space<hbm>> -> memref<1x4096xi32, #tpu.memory_space<hbm>>
    %dma_wait3A_129 = tpu.memref_squeeze %dma_wait3A_128 : memref<1x4096xi32, #tpu.memory_space<hbm>> -> memref<4096xi32, #tpu.memory_space<hbm>>
    tpu.wait_dma2 semaphore(%arg17 : memref<!tpu.dma_semaphore, #tpu.memory_space<semaphore_mem>>) src(%dma_wait3A_129 : memref<4096xi32, #tpu.memory_space<hbm>>) dst(%dma_wait3A_126 : memref<4096xi32, #tpu.memory_space<vmem>>)
    %dma_wait3A_130 = arith.constant 4096 : i32
    %dma_wait3A_131 = tpu.memref_slice %arg9[%dma_wait3A_130] : memref<8192xf32, #tpu.memory_space<vmem>> -> memref<4096xf32, #tpu.memory_space<vmem>>
    %dma_wait3A_132 = arith.constant 4096 : i32
    %dma_wait3A_133 = tpu.memref_slice %arg3[%dma_wait3A_132] : memref<8192xf32, #tpu.memory_space<hbm>> -> memref<4096xf32, #tpu.memory_space<hbm>>
    %dma_wait3A_134 = arith.constant 4096 : i32
    %dma_wait3A_135 = tpu.memref_slice %arg9[%dma_wait3A_134] : memref<8192xf32, #tpu.memory_space<vmem>> -> memref<4096xf32, #tpu.memory_space<vmem>>
    %dma_wait3A_136 = arith.constant 4096 : i32
    %dma_wait3A_137 = tpu.memref_slice %arg3[%dma_wait3A_136] : memref<8192xf32, #tpu.memory_space<hbm>> -> memref<4096xf32, #tpu.memory_space<hbm>>
    tpu.wait_dma2 semaphore(%arg17 : memref<!tpu.dma_semaphore, #tpu.memory_space<semaphore_mem>>) src(%dma_wait3A_137 : memref<4096xf32, #tpu.memory_space<hbm>>) dst(%dma_wait3A_135 : memref<4096xf32, #tpu.memory_space<vmem>>)
    %scan3A_138 = arith.constant 131072 : i32
    %scan3A_139 = arith.constant 0 : i32
    %scan3A_140 = arith.constant 32 : i32
    %scan3A_141 = arith.addi %scan3A_139, %scan3A_140 : i32
    %scan3A_142 = arith.constant 1 : i32
    %scan3A_143 = scf.for %scan3A_245 = %scan3A_139 to %scan3A_141 step %scan3A_142 iter_args(%scan3A_246 = %scan3A_106) -> (vector<16xi32>)  : i32 {
      %mul3A_247 = arith.constant 8 : i32
      %mul3A_248 = arith.muli %scan3A_245, %mul3A_247 : i32
      %add3A_249 = arith.constant 0 : i32
      %add3A_250 = arith.addi %mul3A_248, %add3A_249 : i32
      %mul3A_251 = arith.constant 16 : i32
      %mul3A_252 = arith.muli %add3A_250, %mul3A_251 : i32
      %add3A_253 = arith.constant 4096 : i32
      %add3A_254 = arith.addi %add3A_253, %mul3A_252 : i32
      %get3A = arith.index_cast %add3A_254 : i32 to index
      %get3A_255 = tpu.vector_load %arg7[%get3A] {strides = array<i32>} : memref<8192xi32, #tpu.memory_space<vmem>>, vector<16xi32>,
      %get3A_256 = arith.index_cast %add3A_254 : i32 to index
      %get3A_257 = tpu.vector_load %arg8[%get3A_256] {strides = array<i32>} : memref<8192xi32, #tpu.memory_space<vmem>>, vector<16xi32>,
      %get3A_258 = arith.index_cast %add3A_254 : i32 to index
      %get3A_259 = tpu.vector_load %arg9[%get3A_258] {strides = array<i32>} : memref<8192xf32, #tpu.memory_space<vmem>>, vector<16xf32>,
      %mul3A_260 = arith.constant 2048 : i32
      %mul3A_261 = vector.broadcast %mul3A_260 : i32 to vector<16xi32>
      %mul3A_262 = arith.muli %get3A_255, %mul3A_261 : vector<16xi32>
      %add3A_263 = arith.addi %mul3A_262, %get3A_257 : vector<16xi32>
      %sub3A = vector.broadcast %mul3A_66 : i32 to vector<16xi32>
      %sub3A_264 = arith.subi %add3A_263, %sub3A : vector<16xi32>
      %gt3A = arith.constant 0.000000e+00 : f32
      %gt3A_265 = vector.broadcast %gt3A : f32 to vector<16xf32>
      %gt3A_266 = arith.cmpf ogt, %get3A_259, %gt3A_265 : vector<16xf32>
      %bitcast3A = vector.bitcast %sub3A_264 : vector<16xi32> to vector<16xi32>
      %lt3A = vector.broadcast %scan3A_138 : i32 to vector<16xi32>
      %lt3A_267 = arith.cmpi ult, %bitcast3A, %lt3A : vector<16xi32>
      %and3A = arith.andi %gt3A_266, %lt3A_267 : vector<16xi1>
      %mul3A_268 = arith.constant 8 : i32
      %mul3A_269 = arith.muli %scan3A_245, %mul3A_268 : i32
      %add3A_270 = arith.constant 1 : i32
      %add3A_271 = arith.addi %mul3A_269, %add3A_270 : i32
      %mul3A_272 = arith.constant 16 : i32
      %mul3A_273 = arith.muli %add3A_271, %mul3A_272 : i32
      %add3A_274 = arith.constant 4096 : i32
      %add3A_275 = arith.addi %add3A_274, %mul3A_273 : i32
      %get3A_276 = arith.index_cast %add3A_275 : i32 to index
      %get3A_277 = tpu.vector_load %arg7[%get3A_276] {strides = array<i32>} : memref<8192xi32, #tpu.memory_space<vmem>>, vector<16xi32>,
      %get3A_278 = arith.index_cast %add3A_275 : i32 to index
      %get3A_279 = tpu.vector_load %arg8[%get3A_278] {strides = array<i32>} : memref<8192xi32, #tpu.memory_space<vmem>>, vector<16xi32>,
      %get3A_280 = arith.index_cast %add3A_275 : i32 to index
      %get3A_281 = tpu.vector_load %arg9[%get3A_280] {strides = array<i32>} : memref<8192xf32, #tpu.memory_space<vmem>>, vector<16xf32>,
      %mul3A_282 = arith.constant 2048 : i32
      %mul3A_283 = vector.broadcast %mul3A_282 : i32 to vector<16xi32>
      %mul3A_284 = arith.muli %get3A_277, %mul3A_283 : vector<16xi32>
      %add3A_285 = arith.addi %mul3A_284, %get3A_279 : vector<16xi32>
      %sub3A_286 = vector.broadcast %mul3A_66 : i32 to vector<16xi32>
      %sub3A_287 = arith.subi %add3A_285, %sub3A_286 : vector<16xi32>
      %gt3A_288 = arith.constant 0.000000e+00 : f32
      %gt3A_289 = vector.broadcast %gt3A_288 : f32 to vector<16xf32>
      %gt3A_290 = arith.cmpf ogt, %get3A_281, %gt3A_289 : vector<16xf32>
      %bitcast3A_291 = vector.bitcast %sub3A_287 : vector<16xi32> to vector<16xi32>
      %lt3A_292 = vector.broadcast %scan3A_138 : i32 to vector<16xi32>
      %lt3A_293 = arith.cmpi ult, %bitcast3A_291, %lt3A_292 : vector<16xi32>
      %and3A_294 = arith.andi %gt3A_290, %lt3A_293 : vector<16xi1>
      %mul3A_295 = arith.constant 8 : i32
      %mul3A_296 = arith.muli %scan3A_245, %mul3A_295 : i32
      %add3A_297 = arith.constant 2 : i32
      %add3A_298 = arith.addi %mul3A_296, %add3A_297 : i32
      %mul3A_299 = arith.constant 16 : i32
      %mul3A_300 = arith.muli %add3A_298, %mul3A_299 : i32
      %add3A_301 = arith.constant 4096 : i32
      %add3A_302 = arith.addi %add3A_301, %mul3A_300 : i32
      %get3A_303 = arith.index_cast %add3A_302 : i32 to index
      %get3A_304 = tpu.vector_load %arg7[%get3A_303] {strides = array<i32>} : memref<8192xi32, #tpu.memory_space<vmem>>, vector<16xi32>,
      %get3A_305 = arith.index_cast %add3A_302 : i32 to index
      %get3A_306 = tpu.vector_load %arg8[%get3A_305] {strides = array<i32>} : memref<8192xi32, #tpu.memory_space<vmem>>, vector<16xi32>,
      %get3A_307 = arith.index_cast %add3A_302 : i32 to index
      %get3A_308 = tpu.vector_load %arg9[%get3A_307] {strides = array<i32>} : memref<8192xf32, #tpu.memory_space<vmem>>, vector<16xf32>,
      %mul3A_309 = arith.constant 2048 : i32
      %mul3A_310 = vector.broadcast %mul3A_309 : i32 to vector<16xi32>
      %mul3A_311 = arith.muli %get3A_304, %mul3A_310 : vector<16xi32>
      %add3A_312 = arith.addi %mul3A_311, %get3A_306 : vector<16xi32>
      %sub3A_313 = vector.broadcast %mul3A_66 : i32 to vector<16xi32>
      %sub3A_314 = arith.subi %add3A_312, %sub3A_313 : vector<16xi32>
      %gt3A_315 = arith.constant 0.000000e+00 : f32
      %gt3A_316 = vector.broadcast %gt3A_315 : f32 to vector<16xf32>
      %gt3A_317 = arith.cmpf ogt, %get3A_308, %gt3A_316 : vector<16xf32>
      %bitcast3A_318 = vector.bitcast %sub3A_314 : vector<16xi32> to vector<16xi32>
      %lt3A_319 = vector.broadcast %scan3A_138 : i32 to vector<16xi32>
      %lt3A_320 = arith.cmpi ult, %bitcast3A_318, %lt3A_319 : vector<16xi32>
      %and3A_321 = arith.andi %gt3A_317, %lt3A_320 : vector<16xi1>
      %mul3A_322 = arith.constant 8 : i32
      %mul3A_323 = arith.muli %scan3A_245, %mul3A_322 : i32
      %add3A_324 = arith.constant 3 : i32
      %add3A_325 = arith.addi %mul3A_323, %add3A_324 : i32
      %mul3A_326 = arith.constant 16 : i32
      %mul3A_327 = arith.muli %add3A_325, %mul3A_326 : i32
      %add3A_328 = arith.constant 4096 : i32
      %add3A_329 = arith.addi %add3A_328, %mul3A_327 : i32
      %get3A_330 = arith.index_cast %add3A_329 : i32 to index
      %get3A_331 = tpu.vector_load %arg7[%get3A_330] {strides = array<i32>} : memref<8192xi32, #tpu.memory_space<vmem>>, vector<16xi32>,
      %get3A_332 = arith.index_cast %add3A_329 : i32 to index
      %get3A_333 = tpu.vector_load %arg8[%get3A_332] {strides = array<i32>} : memref<8192xi32, #tpu.memory_space<vmem>>, vector<16xi32>,
      %get3A_334 = arith.index_cast %add3A_329 : i32 to index
      %get3A_335 = tpu.vector_load %arg9[%get3A_334] {strides = array<i32>} : memref<8192xf32, #tpu.memory_space<vmem>>, vector<16xf32>,
      %mul3A_336 = arith.constant 2048 : i32
      %mul3A_337 = vector.broadcast %mul3A_336 : i32 to vector<16xi32>
      %mul3A_338 = arith.muli %get3A_331, %mul3A_337 : vector<16xi32>
      %add3A_339 = arith.addi %mul3A_338, %get3A_333 : vector<16xi32>
      %sub3A_340 = vector.broadcast %mul3A_66 : i32 to vector<16xi32>
      %sub3A_341 = arith.subi %add3A_339, %sub3A_340 : vector<16xi32>
      %gt3A_342 = arith.constant 0.000000e+00 : f32
      %gt3A_343 = vector.broadcast %gt3A_342 : f32 to vector<16xf32>
      %gt3A_344 = arith.cmpf ogt, %get3A_335, %gt3A_343 : vector<16xf32>
      %bitcast3A_345 = vector.bitcast %sub3A_341 : vector<16xi32> to vector<16xi32>
      %lt3A_346 = vector.broadcast %scan3A_138 : i32 to vector<16xi32>
      %lt3A_347 = arith.cmpi ult, %bitcast3A_345, %lt3A_346 : vector<16xi32>
      %and3A_348 = arith.andi %gt3A_344, %lt3A_347 : vector<16xi1>
      %mul3A_349 = arith.constant 8 : i32
      %mul3A_350 = arith.muli %scan3A_245, %mul3A_349 : i32
      %add3A_351 = arith.constant 4 : i32
      %add3A_352 = arith.addi %mul3A_350, %add3A_351 : i32
      %mul3A_353 = arith.constant 16 : i32
      %mul3A_354 = arith.muli %add3A_352, %mul3A_353 : i32
      %add3A_355 = arith.constant 4096 : i32
      %add3A_356 = arith.addi %add3A_355, %mul3A_354 : i32
      %get3A_357 = arith.index_cast %add3A_356 : i32 to index
      %get3A_358 = tpu.vector_load %arg7[%get3A_357] {strides = array<i32>} : memref<8192xi32, #tpu.memory_space<vmem>>, vector<16xi32>,
      %get3A_359 = arith.index_cast %add3A_356 : i32 to index
      %get3A_360 = tpu.vector_load %arg8[%get3A_359] {strides = array<i32>} : memref<8192xi32, #tpu.memory_space<vmem>>, vector<16xi32>,
      %get3A_361 = arith.index_cast %add3A_356 : i32 to index
      %get3A_362 = tpu.vector_load %arg9[%get3A_361] {strides = array<i32>} : memref<8192xf32, #tpu.memory_space<vmem>>, vector<16xf32>,
      %mul3A_363 = arith.constant 2048 : i32
      %mul3A_364 = vector.broadcast %mul3A_363 : i32 to vector<16xi32>
      %mul3A_365 = arith.muli %get3A_358, %mul3A_364 : vector<16xi32>
      %add3A_366 = arith.addi %mul3A_365, %get3A_360 : vector<16xi32>
      %sub3A_367 = vector.broadcast %mul3A_66 : i32 to vector<16xi32>
      %sub3A_368 = arith.subi %add3A_366, %sub3A_367 : vector<16xi32>
      %gt3A_369 = arith.constant 0.000000e+00 : f32
      %gt3A_370 = vector.broadcast %gt3A_369 : f32 to vector<16xf32>
      %gt3A_371 = arith.cmpf ogt, %get3A_362, %gt3A_370 : vector<16xf32>
      %bitcast3A_372 = vector.bitcast %sub3A_368 : vector<16xi32> to vector<16xi32>
      %lt3A_373 = vector.broadcast %scan3A_138 : i32 to vector<16xi32>
      %lt3A_374 = arith.cmpi ult, %bitcast3A_372, %lt3A_373 : vector<16xi32>
      %and3A_375 = arith.andi %gt3A_371, %lt3A_374 : vector<16xi1>
      %mul3A_376 = arith.constant 8 : i32
      %mul3A_377 = arith.muli %scan3A_245, %mul3A_376 : i32
      %add3A_378 = arith.constant 5 : i32
      %add3A_379 = arith.addi %mul3A_377, %add3A_378 : i32
      %mul3A_380 = arith.constant 16 : i32
      %mul3A_381 = arith.muli %add3A_379, %mul3A_380 : i32
      %add3A_382 = arith.constant 4096 : i32
      %add3A_383 = arith.addi %add3A_382, %mul3A_381 : i32
      %get3A_384 = arith.index_cast %add3A_383 : i32 to index
      %get3A_385 = tpu.vector_load %arg7[%get3A_384] {strides = array<i32>} : memref<8192xi32, #tpu.memory_space<vmem>>, vector<16xi32>,
      %get3A_386 = arith.index_cast %add3A_383 : i32 to index
      %get3A_387 = tpu.vector_load %arg8[%get3A_386] {strides = array<i32>} : memref<8192xi32, #tpu.memory_space<vmem>>, vector<16xi32>,
      %get3A_388 = arith.index_cast %add3A_383 : i32 to index
      %get3A_389 = tpu.vector_load %arg9[%get3A_388] {strides = array<i32>} : memref<8192xf32, #tpu.memory_space<vmem>>, vector<16xf32>,
      %mul3A_390 = arith.constant 2048 : i32
      %mul3A_391 = vector.broadcast %mul3A_390 : i32 to vector<16xi32>
      %mul3A_392 = arith.muli %get3A_385, %mul3A_391 : vector<16xi32>
      %add3A_393 = arith.addi %mul3A_392, %get3A_387 : vector<16xi32>
      %sub3A_394 = vector.broadcast %mul3A_66 : i32 to vector<16xi32>
      %sub3A_395 = arith.subi %add3A_393, %sub3A_394 : vector<16xi32>
      %gt3A_396 = arith.constant 0.000000e+00 : f32
      %gt3A_397 = vector.broadcast %gt3A_396 : f32 to vector<16xf32>
      %gt3A_398 = arith.cmpf ogt, %get3A_389, %gt3A_397 : vector<16xf32>
      %bitcast3A_399 = vector.bitcast %sub3A_395 : vector<16xi32> to vector<16xi32>
      %lt3A_400 = vector.broadcast %scan3A_138 : i32 to vector<16xi32>
      %lt3A_401 = arith.cmpi ult, %bitcast3A_399, %lt3A_400 : vector<16xi32>
      %and3A_402 = arith.andi %gt3A_398, %lt3A_401 : vector<16xi1>
      %mul3A_403 = arith.constant 8 : i32
      %mul3A_404 = arith.muli %scan3A_245, %mul3A_403 : i32
      %add3A_405 = arith.constant 6 : i32
      %add3A_406 = arith.addi %mul3A_404, %add3A_405 : i32
      %mul3A_407 = arith.constant 16 : i32
      %mul3A_408 = arith.muli %add3A_406, %mul3A_407 : i32
      %add3A_409 = arith.constant 4096 : i32
      %add3A_410 = arith.addi %add3A_409, %mul3A_408 : i32
      %get3A_411 = arith.index_cast %add3A_410 : i32 to index
      %get3A_412 = tpu.vector_load %arg7[%get3A_411] {strides = array<i32>} : memref<8192xi32, #tpu.memory_space<vmem>>, vector<16xi32>,
      %get3A_413 = arith.index_cast %add3A_410 : i32 to index
      %get3A_414 = tpu.vector_load %arg8[%get3A_413] {strides = array<i32>} : memref<8192xi32, #tpu.memory_space<vmem>>, vector<16xi32>,
      %get3A_415 = arith.index_cast %add3A_410 : i32 to index
      %get3A_416 = tpu.vector_load %arg9[%get3A_415] {strides = array<i32>} : memref<8192xf32, #tpu.memory_space<vmem>>, vector<16xf32>,
      %mul3A_417 = arith.constant 2048 : i32
      %mul3A_418 = vector.broadcast %mul3A_417 : i32 to vector<16xi32>
      %mul3A_419 = arith.muli %get3A_412, %mul3A_418 : vector<16xi32>
      %add3A_420 = arith.addi %mul3A_419, %get3A_414 : vector<16xi32>
      %sub3A_421 = vector.broadcast %mul3A_66 : i32 to vector<16xi32>
      %sub3A_422 = arith.subi %add3A_420, %sub3A_421 : vector<16xi32>
      %gt3A_423 = arith.constant 0.000000e+00 : f32
      %gt3A_424 = vector.broadcast %gt3A_423 : f32 to vector<16xf32>
      %gt3A_425 = arith.cmpf ogt, %get3A_416, %gt3A_424 : vector<16xf32>
      %bitcast3A_426 = vector.bitcast %sub3A_422 : vector<16xi32> to vector<16xi32>
      %lt3A_427 = vector.broadcast %scan3A_138 : i32 to vector<16xi32>
      %lt3A_428 = arith.cmpi ult, %bitcast3A_426, %lt3A_427 : vector<16xi32>
      %and3A_429 = arith.andi %gt3A_425, %lt3A_428 : vector<16xi1>
      %mul3A_430 = arith.constant 8 : i32
      %mul3A_431 = arith.muli %scan3A_245, %mul3A_430 : i32
      %add3A_432 = arith.constant 7 : i32
      %add3A_433 = arith.addi %mul3A_431, %add3A_432 : i32
      %mul3A_434 = arith.constant 16 : i32
      %mul3A_435 = arith.muli %add3A_433, %mul3A_434 : i32
      %add3A_436 = arith.constant 4096 : i32
      %add3A_437 = arith.addi %add3A_436, %mul3A_435 : i32
      %get3A_438 = arith.index_cast %add3A_437 : i32 to index
      %get3A_439 = tpu.vector_load %arg7[%get3A_438] {strides = array<i32>} : memref<8192xi32, #tpu.memory_space<vmem>>, vector<16xi32>,
      %get3A_440 = arith.index_cast %add3A_437 : i32 to index
      %get3A_441 = tpu.vector_load %arg8[%get3A_440] {strides = array<i32>} : memref<8192xi32, #tpu.memory_space<vmem>>, vector<16xi32>,
      %get3A_442 = arith.index_cast %add3A_437 : i32 to index
      %get3A_443 = tpu.vector_load %arg9[%get3A_442] {strides = array<i32>} : memref<8192xf32, #tpu.memory_space<vmem>>, vector<16xf32>,
      %mul3A_444 = arith.constant 2048 : i32
      %mul3A_445 = vector.broadcast %mul3A_444 : i32 to vector<16xi32>
      %mul3A_446 = arith.muli %get3A_439, %mul3A_445 : vector<16xi32>
      %add3A_447 = arith.addi %mul3A_446, %get3A_441 : vector<16xi32>
      %sub3A_448 = vector.broadcast %mul3A_66 : i32 to vector<16xi32>
      %sub3A_449 = arith.subi %add3A_447, %sub3A_448 : vector<16xi32>
      %gt3A_450 = arith.constant 0.000000e+00 : f32
      %gt3A_451 = vector.broadcast %gt3A_450 : f32 to vector<16xf32>
      %gt3A_452 = arith.cmpf ogt, %get3A_443, %gt3A_451 : vector<16xf32>
      %bitcast3A_453 = vector.bitcast %sub3A_449 : vector<16xi32> to vector<16xi32>
      %lt3A_454 = vector.broadcast %scan3A_138 : i32 to vector<16xi32>
      %lt3A_455 = arith.cmpi ult, %bitcast3A_453, %lt3A_454 : vector<16xi32>
      %and3A_456 = arith.andi %gt3A_452, %lt3A_455 : vector<16xi1>
      %jit3A = arith.constant 1 : i32
      %jit3A_457 = arith.constant 0 : i32
      %broadcast_in_dim3A_458 = vector.broadcast %jit3A : i32 to vector<16xi32>
      %broadcast_in_dim3A_459 = vector.broadcast %jit3A_457 : i32 to vector<16xi32>
      %select_n3A = arith.select %and3A, %broadcast_in_dim3A_458, %broadcast_in_dim3A_459 : vector<16xi1>, vector<16xi32>
      %add3A_460 = arith.addi %scan3A_246, %select_n3A : vector<16xi32>
      %jit3A_461 = arith.constant 1 : i32
      %jit3A_462 = arith.constant 0 : i32
      %broadcast_in_dim3A_463 = vector.broadcast %jit3A_461 : i32 to vector<16xi32>
      %broadcast_in_dim3A_464 = vector.broadcast %jit3A_462 : i32 to vector<16xi32>
      %select_n3A_465 = arith.select %and3A_294, %broadcast_in_dim3A_463, %broadcast_in_dim3A_464 : vector<16xi1>, vector<16xi32>
      %add3A_466 = arith.addi %add3A_460, %select_n3A_465 : vector<16xi32>
      %jit3A_467 = arith.constant 1 : i32
      %jit3A_468 = arith.constant 0 : i32
      %broadcast_in_dim3A_469 = vector.broadcast %jit3A_467 : i32 to vector<16xi32>
      %broadcast_in_dim3A_470 = vector.broadcast %jit3A_468 : i32 to vector<16xi32>
      %select_n3A_471 = arith.select %and3A_321, %broadcast_in_dim3A_469, %broadcast_in_dim3A_470 : vector<16xi1>, vector<16xi32>
      %add3A_472 = arith.addi %add3A_466, %select_n3A_471 : vector<16xi32>
      %jit3A_473 = arith.constant 1 : i32
      %jit3A_474 = arith.constant 0 : i32
      %broadcast_in_dim3A_475 = vector.broadcast %jit3A_473 : i32 to vector<16xi32>
      %broadcast_in_dim3A_476 = vector.broadcast %jit3A_474 : i32 to vector<16xi32>
      %select_n3A_477 = arith.select %and3A_348, %broadcast_in_dim3A_475, %broadcast_in_dim3A_476 : vector<16xi1>, vector<16xi32>
      %add3A_478 = arith.addi %add3A_472, %select_n3A_477 : vector<16xi32>
      %jit3A_479 = arith.constant 1 : i32
      %jit3A_480 = arith.constant 0 : i32
      %broadcast_in_dim3A_481 = vector.broadcast %jit3A_479 : i32 to vector<16xi32>
      %broadcast_in_dim3A_482 = vector.broadcast %jit3A_480 : i32 to vector<16xi32>
      %select_n3A_483 = arith.select %and3A_375, %broadcast_in_dim3A_481, %broadcast_in_dim3A_482 : vector<16xi1>, vector<16xi32>
      %add3A_484 = arith.addi %add3A_478, %select_n3A_483 : vector<16xi32>
      %jit3A_485 = arith.constant 1 : i32
      %jit3A_486 = arith.constant 0 : i32
      %broadcast_in_dim3A_487 = vector.broadcast %jit3A_485 : i32 to vector<16xi32>
      %broadcast_in_dim3A_488 = vector.broadcast %jit3A_486 : i32 to vector<16xi32>
      %select_n3A_489 = arith.select %and3A_402, %broadcast_in_dim3A_487, %broadcast_in_dim3A_488 : vector<16xi1>, vector<16xi32>
      %add3A_490 = arith.addi %add3A_484, %select_n3A_489 : vector<16xi32>
      %jit3A_491 = arith.constant 1 : i32
      %jit3A_492 = arith.constant 0 : i32
      %broadcast_in_dim3A_493 = vector.broadcast %jit3A_491 : i32 to vector<16xi32>
      %broadcast_in_dim3A_494 = vector.broadcast %jit3A_492 : i32 to vector<16xi32>
      %select_n3A_495 = arith.select %and3A_429, %broadcast_in_dim3A_493, %broadcast_in_dim3A_494 : vector<16xi1>, vector<16xi32>
      %add3A_496 = arith.addi %add3A_490, %select_n3A_495 : vector<16xi32>
      %jit3A_497 = arith.constant 1 : i32
      %jit3A_498 = arith.constant 0 : i32
      %broadcast_in_dim3A_499 = vector.broadcast %jit3A_497 : i32 to vector<16xi32>
      %broadcast_in_dim3A_500 = vector.broadcast %jit3A_498 : i32 to vector<16xi32>
      %select_n3A_501 = arith.select %and3A_456, %broadcast_in_dim3A_499, %broadcast_in_dim3A_500 : vector<16xi1>, vector<16xi32>
      %add3A_502 = arith.addi %add3A_496, %select_n3A_501 : vector<16xi32>
      %add3A_503 = arith.addi %mul3A_69, %scan3A_246 : vector<16xi32>
      tpu.vector_store_idx %arg10[%add3A_503], %sub3A_264 masked %and3A : memref<8192xi32, #tpu.memory_space<vmem>>[vector<16xi32>], vector<16xi32>, vector<16xi1>
      %add3A_504 = arith.addi %mul3A_69, %add3A_460 : vector<16xi32>
      tpu.vector_store_idx %arg10[%add3A_504], %sub3A_287 masked %and3A_294 : memref<8192xi32, #tpu.memory_space<vmem>>[vector<16xi32>], vector<16xi32>, vector<16xi1>
      %add3A_505 = arith.addi %mul3A_69, %add3A_466 : vector<16xi32>
      tpu.vector_store_idx %arg10[%add3A_505], %sub3A_314 masked %and3A_321 : memref<8192xi32, #tpu.memory_space<vmem>>[vector<16xi32>], vector<16xi32>, vector<16xi1>
      %add3A_506 = arith.addi %mul3A_69, %add3A_472 : vector<16xi32>
      tpu.vector_store_idx %arg10[%add3A_506], %sub3A_341 masked %and3A_348 : memref<8192xi32, #tpu.memory_space<vmem>>[vector<16xi32>], vector<16xi32>, vector<16xi1>
      %add3A_507 = arith.addi %mul3A_69, %add3A_478 : vector<16xi32>
      tpu.vector_store_idx %arg10[%add3A_507], %sub3A_368 masked %and3A_375 : memref<8192xi32, #tpu.memory_space<vmem>>[vector<16xi32>], vector<16xi32>, vector<16xi1>
      %add3A_508 = arith.addi %mul3A_69, %add3A_484 : vector<16xi32>
      tpu.vector_store_idx %arg10[%add3A_508], %sub3A_395 masked %and3A_402 : memref<8192xi32, #tpu.memory_space<vmem>>[vector<16xi32>], vector<16xi32>, vector<16xi1>
      %add3A_509 = arith.addi %mul3A_69, %add3A_490 : vector<16xi32>
      tpu.vector_store_idx %arg10[%add3A_509], %sub3A_422 masked %and3A_429 : memref<8192xi32, #tpu.memory_space<vmem>>[vector<16xi32>], vector<16xi32>, vector<16xi1>
      %add3A_510 = arith.addi %mul3A_69, %add3A_496 : vector<16xi32>
      tpu.vector_store_idx %arg10[%add3A_510], %sub3A_449 masked %and3A_456 : memref<8192xi32, #tpu.memory_space<vmem>>[vector<16xi32>], vector<16xi32>, vector<16xi1>
      scf.yield %add3A_502 : vector<16xi32>
    }
    %scan3A_144 = arith.constant 32 : i32
    tpu.wait_dma2 semaphore(%arg18 : memref<!tpu.dma_semaphore, #tpu.memory_space<semaphore_mem>>) src(%arg4 : memref<4096xi32, #tpu.memory_space<hbm>>) dst(%arg11 : memref<4096xi32, #tpu.memory_space<vmem>>)
    tpu.wait_dma2 semaphore(%arg18 : memref<!tpu.dma_semaphore, #tpu.memory_space<semaphore_mem>>) src(%arg5 : memref<4096xi32, #tpu.memory_space<hbm>>) dst(%arg12 : memref<4096xi32, #tpu.memory_space<vmem>>)
    %scan3A_145 = arith.constant 131072 : i32
    %scan3A_146 = arith.constant 0 : i32
    %scan3A_147 = arith.constant 32 : i32
    %scan3A_148 = arith.addi %scan3A_146, %scan3A_147 : i32
    %scan3A_149 = arith.constant 1 : i32
    %scan3A_150 = scf.for %scan3A_245 = %scan3A_146 to %scan3A_148 step %scan3A_149 iter_args(%scan3A_246 = %broadcast_in_dim3A_64) -> (vector<16xi32>)  : i32 {
      %mul3A_247 = arith.constant 8 : i32
      %mul3A_248 = arith.muli %scan3A_245, %mul3A_247 : i32
      %add3A_249 = arith.constant 0 : i32
      %add3A_250 = arith.addi %mul3A_248, %add3A_249 : i32
      %mul3A_251 = arith.constant 16 : i32
      %mul3A_252 = arith.muli %add3A_250, %mul3A_251 : i32
      %get3A = arith.index_cast %mul3A_252 : i32 to index
      %get3A_253 = tpu.vector_load %arg11[%get3A] {strides = array<i32>} : memref<4096xi32, #tpu.memory_space<vmem>>, vector<16xi32>,
      %mul3A_254 = arith.constant 2048 : i32
      %mul3A_255 = vector.broadcast %mul3A_254 : i32 to vector<16xi32>
      %mul3A_256 = arith.muli %get3A_253, %mul3A_255 : vector<16xi32>
      %get3A_257 = arith.index_cast %mul3A_252 : i32 to index
      %get3A_258 = tpu.vector_load %arg12[%get3A_257] {strides = array<i32>} : memref<4096xi32, #tpu.memory_space<vmem>>, vector<16xi32>,
      %add3A_259 = arith.addi %mul3A_256, %get3A_258 : vector<16xi32>
      %sub3A = vector.broadcast %mul3A_66 : i32 to vector<16xi32>
      %sub3A_260 = arith.subi %add3A_259, %sub3A : vector<16xi32>
      %bitcast3A = vector.bitcast %sub3A_260 : vector<16xi32> to vector<16xi32>
      %lt3A = vector.broadcast %scan3A_145 : i32 to vector<16xi32>
      %lt3A_261 = arith.cmpi ult, %bitcast3A, %lt3A : vector<16xi32>
      %mul3A_262 = arith.constant 8 : i32
      %mul3A_263 = arith.muli %scan3A_245, %mul3A_262 : i32
      %add3A_264 = arith.constant 1 : i32
      %add3A_265 = arith.addi %mul3A_263, %add3A_264 : i32
      %mul3A_266 = arith.constant 16 : i32
      %mul3A_267 = arith.muli %add3A_265, %mul3A_266 : i32
      %get3A_268 = arith.index_cast %mul3A_267 : i32 to index
      %get3A_269 = tpu.vector_load %arg11[%get3A_268] {strides = array<i32>} : memref<4096xi32, #tpu.memory_space<vmem>>, vector<16xi32>,
      %mul3A_270 = arith.constant 2048 : i32
      %mul3A_271 = vector.broadcast %mul3A_270 : i32 to vector<16xi32>
      %mul3A_272 = arith.muli %get3A_269, %mul3A_271 : vector<16xi32>
      %get3A_273 = arith.index_cast %mul3A_267 : i32 to index
      %get3A_274 = tpu.vector_load %arg12[%get3A_273] {strides = array<i32>} : memref<4096xi32, #tpu.memory_space<vmem>>, vector<16xi32>,
      %add3A_275 = arith.addi %mul3A_272, %get3A_274 : vector<16xi32>
      %sub3A_276 = vector.broadcast %mul3A_66 : i32 to vector<16xi32>
      %sub3A_277 = arith.subi %add3A_275, %sub3A_276 : vector<16xi32>
      %bitcast3A_278 = vector.bitcast %sub3A_277 : vector<16xi32> to vector<16xi32>
      %lt3A_279 = vector.broadcast %scan3A_145 : i32 to vector<16xi32>
      %lt3A_280 = arith.cmpi ult, %bitcast3A_278, %lt3A_279 : vector<16xi32>
      %mul3A_281 = arith.constant 8 : i32
      %mul3A_282 = arith.muli %scan3A_245, %mul3A_281 : i32
      %add3A_283 = arith.constant 2 : i32
      %add3A_284 = arith.addi %mul3A_282, %add3A_283 : i32
      %mul3A_285 = arith.constant 16 : i32
      %mul3A_286 = arith.muli %add3A_284, %mul3A_285 : i32
      %get3A_287 = arith.index_cast %mul3A_286 : i32 to index
      %get3A_288 = tpu.vector_load %arg11[%get3A_287] {strides = array<i32>} : memref<4096xi32, #tpu.memory_space<vmem>>, vector<16xi32>,
      %mul3A_289 = arith.constant 2048 : i32
      %mul3A_290 = vector.broadcast %mul3A_289 : i32 to vector<16xi32>
      %mul3A_291 = arith.muli %get3A_288, %mul3A_290 : vector<16xi32>
      %get3A_292 = arith.index_cast %mul3A_286 : i32 to index
      %get3A_293 = tpu.vector_load %arg12[%get3A_292] {strides = array<i32>} : memref<4096xi32, #tpu.memory_space<vmem>>, vector<16xi32>,
      %add3A_294 = arith.addi %mul3A_291, %get3A_293 : vector<16xi32>
      %sub3A_295 = vector.broadcast %mul3A_66 : i32 to vector<16xi32>
      %sub3A_296 = arith.subi %add3A_294, %sub3A_295 : vector<16xi32>
      %bitcast3A_297 = vector.bitcast %sub3A_296 : vector<16xi32> to vector<16xi32>
      %lt3A_298 = vector.broadcast %scan3A_145 : i32 to vector<16xi32>
      %lt3A_299 = arith.cmpi ult, %bitcast3A_297, %lt3A_298 : vector<16xi32>
      %mul3A_300 = arith.constant 8 : i32
      %mul3A_301 = arith.muli %scan3A_245, %mul3A_300 : i32
      %add3A_302 = arith.constant 3 : i32
      %add3A_303 = arith.addi %mul3A_301, %add3A_302 : i32
      %mul3A_304 = arith.constant 16 : i32
      %mul3A_305 = arith.muli %add3A_303, %mul3A_304 : i32
      %get3A_306 = arith.index_cast %mul3A_305 : i32 to index
      %get3A_307 = tpu.vector_load %arg11[%get3A_306] {strides = array<i32>} : memref<4096xi32, #tpu.memory_space<vmem>>, vector<16xi32>,
      %mul3A_308 = arith.constant 2048 : i32
      %mul3A_309 = vector.broadcast %mul3A_308 : i32 to vector<16xi32>
      %mul3A_310 = arith.muli %get3A_307, %mul3A_309 : vector<16xi32>
      %get3A_311 = arith.index_cast %mul3A_305 : i32 to index
      %get3A_312 = tpu.vector_load %arg12[%get3A_311] {strides = array<i32>} : memref<4096xi32, #tpu.memory_space<vmem>>, vector<16xi32>,
      %add3A_313 = arith.addi %mul3A_310, %get3A_312 : vector<16xi32>
      %sub3A_314 = vector.broadcast %mul3A_66 : i32 to vector<16xi32>
      %sub3A_315 = arith.subi %add3A_313, %sub3A_314 : vector<16xi32>
      %bitcast3A_316 = vector.bitcast %sub3A_315 : vector<16xi32> to vector<16xi32>
      %lt3A_317 = vector.broadcast %scan3A_145 : i32 to vector<16xi32>
      %lt3A_318 = arith.cmpi ult, %bitcast3A_316, %lt3A_317 : vector<16xi32>
      %mul3A_319 = arith.constant 8 : i32
      %mul3A_320 = arith.muli %scan3A_245, %mul3A_319 : i32
      %add3A_321 = arith.constant 4 : i32
      %add3A_322 = arith.addi %mul3A_320, %add3A_321 : i32
      %mul3A_323 = arith.constant 16 : i32
      %mul3A_324 = arith.muli %add3A_322, %mul3A_323 : i32
      %get3A_325 = arith.index_cast %mul3A_324 : i32 to index
      %get3A_326 = tpu.vector_load %arg11[%get3A_325] {strides = array<i32>} : memref<4096xi32, #tpu.memory_space<vmem>>, vector<16xi32>,
      %mul3A_327 = arith.constant 2048 : i32
      %mul3A_328 = vector.broadcast %mul3A_327 : i32 to vector<16xi32>
      %mul3A_329 = arith.muli %get3A_326, %mul3A_328 : vector<16xi32>
      %get3A_330 = arith.index_cast %mul3A_324 : i32 to index
      %get3A_331 = tpu.vector_load %arg12[%get3A_330] {strides = array<i32>} : memref<4096xi32, #tpu.memory_space<vmem>>, vector<16xi32>,
      %add3A_332 = arith.addi %mul3A_329, %get3A_331 : vector<16xi32>
      %sub3A_333 = vector.broadcast %mul3A_66 : i32 to vector<16xi32>
      %sub3A_334 = arith.subi %add3A_332, %sub3A_333 : vector<16xi32>
      %bitcast3A_335 = vector.bitcast %sub3A_334 : vector<16xi32> to vector<16xi32>
      %lt3A_336 = vector.broadcast %scan3A_145 : i32 to vector<16xi32>
      %lt3A_337 = arith.cmpi ult, %bitcast3A_335, %lt3A_336 : vector<16xi32>
      %mul3A_338 = arith.constant 8 : i32
      %mul3A_339 = arith.muli %scan3A_245, %mul3A_338 : i32
      %add3A_340 = arith.constant 5 : i32
      %add3A_341 = arith.addi %mul3A_339, %add3A_340 : i32
      %mul3A_342 = arith.constant 16 : i32
      %mul3A_343 = arith.muli %add3A_341, %mul3A_342 : i32
      %get3A_344 = arith.index_cast %mul3A_343 : i32 to index
      %get3A_345 = tpu.vector_load %arg11[%get3A_344] {strides = array<i32>} : memref<4096xi32, #tpu.memory_space<vmem>>, vector<16xi32>,
      %mul3A_346 = arith.constant 2048 : i32
      %mul3A_347 = vector.broadcast %mul3A_346 : i32 to vector<16xi32>
      %mul3A_348 = arith.muli %get3A_345, %mul3A_347 : vector<16xi32>
      %get3A_349 = arith.index_cast %mul3A_343 : i32 to index
      %get3A_350 = tpu.vector_load %arg12[%get3A_349] {strides = array<i32>} : memref<4096xi32, #tpu.memory_space<vmem>>, vector<16xi32>,
      %add3A_351 = arith.addi %mul3A_348, %get3A_350 : vector<16xi32>
      %sub3A_352 = vector.broadcast %mul3A_66 : i32 to vector<16xi32>
      %sub3A_353 = arith.subi %add3A_351, %sub3A_352 : vector<16xi32>
      %bitcast3A_354 = vector.bitcast %sub3A_353 : vector<16xi32> to vector<16xi32>
      %lt3A_355 = vector.broadcast %scan3A_145 : i32 to vector<16xi32>
      %lt3A_356 = arith.cmpi ult, %bitcast3A_354, %lt3A_355 : vector<16xi32>
      %mul3A_357 = arith.constant 8 : i32
      %mul3A_358 = arith.muli %scan3A_245, %mul3A_357 : i32
      %add3A_359 = arith.constant 6 : i32
      %add3A_360 = arith.addi %mul3A_358, %add3A_359 : i32
      %mul3A_361 = arith.constant 16 : i32
      %mul3A_362 = arith.muli %add3A_360, %mul3A_361 : i32
      %get3A_363 = arith.index_cast %mul3A_362 : i32 to index
      %get3A_364 = tpu.vector_load %arg11[%get3A_363] {strides = array<i32>} : memref<4096xi32, #tpu.memory_space<vmem>>, vector<16xi32>,
      %mul3A_365 = arith.constant 2048 : i32
      %mul3A_366 = vector.broadcast %mul3A_365 : i32 to vector<16xi32>
      %mul3A_367 = arith.muli %get3A_364, %mul3A_366 : vector<16xi32>
      %get3A_368 = arith.index_cast %mul3A_362 : i32 to index
      %get3A_369 = tpu.vector_load %arg12[%get3A_368] {strides = array<i32>} : memref<4096xi32, #tpu.memory_space<vmem>>, vector<16xi32>,
      %add3A_370 = arith.addi %mul3A_367, %get3A_369 : vector<16xi32>
      %sub3A_371 = vector.broadcast %mul3A_66 : i32 to vector<16xi32>
      %sub3A_372 = arith.subi %add3A_370, %sub3A_371 : vector<16xi32>
      %bitcast3A_373 = vector.bitcast %sub3A_372 : vector<16xi32> to vector<16xi32>
      %lt3A_374 = vector.broadcast %scan3A_145 : i32 to vector<16xi32>
      %lt3A_375 = arith.cmpi ult, %bitcast3A_373, %lt3A_374 : vector<16xi32>
      %mul3A_376 = arith.constant 8 : i32
      %mul3A_377 = arith.muli %scan3A_245, %mul3A_376 : i32
      %add3A_378 = arith.constant 7 : i32
      %add3A_379 = arith.addi %mul3A_377, %add3A_378 : i32
      %mul3A_380 = arith.constant 16 : i32
      %mul3A_381 = arith.muli %add3A_379, %mul3A_380 : i32
      %get3A_382 = arith.index_cast %mul3A_381 : i32 to index
      %get3A_383 = tpu.vector_load %arg11[%get3A_382] {strides = array<i32>} : memref<4096xi32, #tpu.memory_space<vmem>>, vector<16xi32>,
      %mul3A_384 = arith.constant 2048 : i32
      %mul3A_385 = vector.broadcast %mul3A_384 : i32 to vector<16xi32>
      %mul3A_386 = arith.muli %get3A_383, %mul3A_385 : vector<16xi32>
      %get3A_387 = arith.index_cast %mul3A_381 : i32 to index
      %get3A_388 = tpu.vector_load %arg12[%get3A_387] {strides = array<i32>} : memref<4096xi32, #tpu.memory_space<vmem>>, vector<16xi32>,
      %add3A_389 = arith.addi %mul3A_386, %get3A_388 : vector<16xi32>
      %sub3A_390 = vector.broadcast %mul3A_66 : i32 to vector<16xi32>
      %sub3A_391 = arith.subi %add3A_389, %sub3A_390 : vector<16xi32>
      %bitcast3A_392 = vector.bitcast %sub3A_391 : vector<16xi32> to vector<16xi32>
      %lt3A_393 = vector.broadcast %scan3A_145 : i32 to vector<16xi32>
      %lt3A_394 = arith.cmpi ult, %bitcast3A_392, %lt3A_393 : vector<16xi32>
      %jit3A = arith.constant 1 : i32
      %jit3A_395 = arith.constant 0 : i32
      %broadcast_in_dim3A_396 = vector.broadcast %jit3A : i32 to vector<16xi32>
      %broadcast_in_dim3A_397 = vector.broadcast %jit3A_395 : i32 to vector<16xi32>
      %select_n3A = arith.select %lt3A_261, %broadcast_in_dim3A_396, %broadcast_in_dim3A_397 : vector<16xi1>, vector<16xi32>
      %add3A_398 = arith.addi %scan3A_246, %select_n3A : vector<16xi32>
      %jit3A_399 = arith.constant 1 : i32
      %jit3A_400 = arith.constant 0 : i32
      %broadcast_in_dim3A_401 = vector.broadcast %jit3A_399 : i32 to vector<16xi32>
      %broadcast_in_dim3A_402 = vector.broadcast %jit3A_400 : i32 to vector<16xi32>
      %select_n3A_403 = arith.select %lt3A_280, %broadcast_in_dim3A_401, %broadcast_in_dim3A_402 : vector<16xi1>, vector<16xi32>
      %add3A_404 = arith.addi %add3A_398, %select_n3A_403 : vector<16xi32>
      %jit3A_405 = arith.constant 1 : i32
      %jit3A_406 = arith.constant 0 : i32
      %broadcast_in_dim3A_407 = vector.broadcast %jit3A_405 : i32 to vector<16xi32>
      %broadcast_in_dim3A_408 = vector.broadcast %jit3A_406 : i32 to vector<16xi32>
      %select_n3A_409 = arith.select %lt3A_299, %broadcast_in_dim3A_407, %broadcast_in_dim3A_408 : vector<16xi1>, vector<16xi32>
      %add3A_410 = arith.addi %add3A_404, %select_n3A_409 : vector<16xi32>
      %jit3A_411 = arith.constant 1 : i32
      %jit3A_412 = arith.constant 0 : i32
      %broadcast_in_dim3A_413 = vector.broadcast %jit3A_411 : i32 to vector<16xi32>
      %broadcast_in_dim3A_414 = vector.broadcast %jit3A_412 : i32 to vector<16xi32>
      %select_n3A_415 = arith.select %lt3A_318, %broadcast_in_dim3A_413, %broadcast_in_dim3A_414 : vector<16xi1>, vector<16xi32>
      %add3A_416 = arith.addi %add3A_410, %select_n3A_415 : vector<16xi32>
      %jit3A_417 = arith.constant 1 : i32
      %jit3A_418 = arith.constant 0 : i32
      %broadcast_in_dim3A_419 = vector.broadcast %jit3A_417 : i32 to vector<16xi32>
      %broadcast_in_dim3A_420 = vector.broadcast %jit3A_418 : i32 to vector<16xi32>
      %select_n3A_421 = arith.select %lt3A_337, %broadcast_in_dim3A_419, %broadcast_in_dim3A_420 : vector<16xi1>, vector<16xi32>
      %add3A_422 = arith.addi %add3A_416, %select_n3A_421 : vector<16xi32>
      %jit3A_423 = arith.constant 1 : i32
      %jit3A_424 = arith.constant 0 : i32
      %broadcast_in_dim3A_425 = vector.broadcast %jit3A_423 : i32 to vector<16xi32>
      %broadcast_in_dim3A_426 = vector.broadcast %jit3A_424 : i32 to vector<16xi32>
      %select_n3A_427 = arith.select %lt3A_356, %broadcast_in_dim3A_425, %broadcast_in_dim3A_426 : vector<16xi1>, vector<16xi32>
      %add3A_428 = arith.addi %add3A_422, %select_n3A_427 : vector<16xi32>
      %jit3A_429 = arith.constant 1 : i32
      %jit3A_430 = arith.constant 0 : i32
      %broadcast_in_dim3A_431 = vector.broadcast %jit3A_429 : i32 to vector<16xi32>
      %broadcast_in_dim3A_432 = vector.broadcast %jit3A_430 : i32 to vector<16xi32>
      %select_n3A_433 = arith.select %lt3A_375, %broadcast_in_dim3A_431, %broadcast_in_dim3A_432 : vector<16xi1>, vector<16xi32>
      %add3A_434 = arith.addi %add3A_428, %select_n3A_433 : vector<16xi32>
      %jit3A_435 = arith.constant 1 : i32
      %jit3A_436 = arith.constant 0 : i32
      %broadcast_in_dim3A_437 = vector.broadcast %jit3A_435 : i32 to vector<16xi32>
      %broadcast_in_dim3A_438 = vector.broadcast %jit3A_436 : i32 to vector<16xi32>
      %select_n3A_439 = arith.select %lt3A_394, %broadcast_in_dim3A_437, %broadcast_in_dim3A_438 : vector<16xi1>, vector<16xi32>
      %add3A_440 = arith.addi %add3A_434, %select_n3A_439 : vector<16xi32>
      %add3A_441 = arith.addi %mul3A_72, %scan3A_246 : vector<16xi32>
      tpu.vector_store_idx %arg13[%add3A_441], %sub3A_260 masked %lt3A_261 : memref<4096xi32, #tpu.memory_space<vmem>>[vector<16xi32>], vector<16xi32>, vector<16xi1>
      %add3A_442 = arith.addi %mul3A_72, %add3A_398 : vector<16xi32>
      tpu.vector_store_idx %arg13[%add3A_442], %sub3A_277 masked %lt3A_280 : memref<4096xi32, #tpu.memory_space<vmem>>[vector<16xi32>], vector<16xi32>, vector<16xi1>
      %add3A_443 = arith.addi %mul3A_72, %add3A_404 : vector<16xi32>
      tpu.vector_store_idx %arg13[%add3A_443], %sub3A_296 masked %lt3A_299 : memref<4096xi32, #tpu.memory_space<vmem>>[vector<16xi32>], vector<16xi32>, vector<16xi1>
      %add3A_444 = arith.addi %mul3A_72, %add3A_410 : vector<16xi32>
      tpu.vector_store_idx %arg13[%add3A_444], %sub3A_315 masked %lt3A_318 : memref<4096xi32, #tpu.memory_space<vmem>>[vector<16xi32>], vector<16xi32>, vector<16xi1>
      %add3A_445 = arith.addi %mul3A_72, %add3A_416 : vector<16xi32>
      tpu.vector_store_idx %arg13[%add3A_445], %sub3A_334 masked %lt3A_337 : memref<4096xi32, #tpu.memory_space<vmem>>[vector<16xi32>], vector<16xi32>, vector<16xi1>
      %add3A_446 = arith.addi %mul3A_72, %add3A_422 : vector<16xi32>
      tpu.vector_store_idx %arg13[%add3A_446], %sub3A_353 masked %lt3A_356 : memref<4096xi32, #tpu.memory_space<vmem>>[vector<16xi32>], vector<16xi32>, vector<16xi1>
      %add3A_447 = arith.addi %mul3A_72, %add3A_428 : vector<16xi32>
      tpu.vector_store_idx %arg13[%add3A_447], %sub3A_372 masked %lt3A_375 : memref<4096xi32, #tpu.memory_space<vmem>>[vector<16xi32>], vector<16xi32>, vector<16xi1>
      %add3A_448 = arith.addi %mul3A_72, %add3A_434 : vector<16xi32>
      tpu.vector_store_idx %arg13[%add3A_448], %sub3A_391 masked %lt3A_394 : memref<4096xi32, #tpu.memory_space<vmem>>[vector<16xi32>], vector<16xi32>, vector<16xi1>
      scf.yield %add3A_440 : vector<16xi32>
    }
    %scan3A_151 = arith.constant 32 : i32
    %reduce_max3A = arith.constant true
    %reduce_max3A_152 = vector.broadcast %reduce_max3A : i1 to vector<16xi1>
    %reduce_max3A_153 = arith.constant -2147483648 : i32
    %reduce_max3A_154 = vector.broadcast %reduce_max3A_153 : i32 to vector<16xi32>
    %reduce_max3A_155 = arith.xori %scan3A_143, %reduce_max3A_154 : vector<16xi32>
    %reduce_max3A_156 = tpu.scan <max>, %reduce_max3A_155 masked %reduce_max3A_152 : vector<16xi32>, vector<16xi1> -> vector<16xi32>
    %reduce_max3A_157 = arith.xori %reduce_max3A_156, %reduce_max3A_154 : vector<16xi32>
    %reduce_max3A_158 = vector.extract %reduce_max3A_157[15] : i32 from vector<16xi32>
    %reduce_max3A_159 = arith.constant true
    %reduce_max3A_160 = vector.broadcast %reduce_max3A_159 : i1 to vector<16xi1>
    %reduce_max3A_161 = arith.constant -2147483648 : i32
    %reduce_max3A_162 = vector.broadcast %reduce_max3A_161 : i32 to vector<16xi32>
    %reduce_max3A_163 = arith.xori %scan3A_150, %reduce_max3A_162 : vector<16xi32>
    %reduce_max3A_164 = tpu.scan <max>, %reduce_max3A_163 masked %reduce_max3A_160 : vector<16xi32>, vector<16xi1> -> vector<16xi32>
    %reduce_max3A_165 = arith.xori %reduce_max3A_164, %reduce_max3A_162 : vector<16xi32>
    %reduce_max3A_166 = vector.extract %reduce_max3A_165[15] : i32 from vector<16xi32>
    %while3A = arith.constant 65536 : i32
    %while3A_167 = arith.constant 0 : i32
    %while3A_168 = arith.constant 0 : i32
    %while3A_169 = arith.subi %reduce_max3A_166, %while3A_167 : i32
    %while3A_170 = arith.addi %while3A_167, %while3A_169 : i32
    %while3A_171 = arith.constant 1 : i32
    %while3A_172 = arith.divsi %while3A_169, %while3A_171 : i32
    %while3A_173 = arith.muli %while3A_172, %while3A_171 : i32
    %while3A_174 = arith.addi %while3A_167, %while3A_173 : i32
    %while3A_175 = arith.constant 1 : i32
    %while3A_176 = scf.for %while3A_245 = %while3A_167 to %while3A_174 step %while3A_175 iter_args(%while3A_246 = %while3A_168) -> (i32)  : i32 {
      %add3A_247 = vector.broadcast %while3A_245 : i32 to vector<16xi32>
      %add3A_248 = arith.addi %mul3A_72, %add3A_247 : vector<16xi32>
      %gather3A = tpu.vector_load_idx %arg13[%add3A_248] : memref<4096xi32, #tpu.memory_space<vmem>>[vector<16xi32>], vector<16xi32>,
      %sub3A = arith.constant 0 : i32
      %sub3A_249 = vector.broadcast %sub3A : i32 to vector<16xi32>
      %sub3A_250 = arith.subi %gather3A, %sub3A_249 : vector<16xi32>
      %lt3A = vector.broadcast %while3A_245 : i32 to vector<16xi32>
      %lt3A_251 = arith.cmpi slt, %lt3A, %scan3A_150 : vector<16xi32>
      %bitcast3A = vector.bitcast %sub3A_250 : vector<16xi32> to vector<16xi32>
      %lt3A_252 = vector.broadcast %while3A : i32 to vector<16xi32>
      %lt3A_253 = arith.cmpi ult, %bitcast3A, %lt3A_252 : vector<16xi32>
      %and3A = arith.andi %lt3A_251, %lt3A_253 : vector<16xi1>
      %and3A_254 = arith.constant 65535 : i32
      %and3A_255 = vector.broadcast %and3A_254 : i32 to vector<16xi32>
      %and3A_256 = arith.andi %sub3A_250, %and3A_255 : vector<16xi32>
      tpu.vector_store_idx %arg14[%and3A_256], %broadcast_in_dim3A_60 masked %and3A : memref<65536xf32, #tpu.memory_space<vmem>>[vector<16xi32>], vector<16xf32>, vector<16xi1>
      %while3A_257 = arith.constant 0 : i32
      scf.yield %while3A_257 : i32
    }
    %while3A_177 = arith.constant 1 : i32
    %while3A_178 = scf.for %while3A_245 = %while3A_174 to %while3A_170 step %while3A_177 iter_args(%while3A_246 = %while3A_176) -> (i32)  : i32 {
      %add3A_247 = vector.broadcast %while3A_245 : i32 to vector<16xi32>
      %add3A_248 = arith.addi %mul3A_72, %add3A_247 : vector<16xi32>
      %gather3A = tpu.vector_load_idx %arg13[%add3A_248] : memref<4096xi32, #tpu.memory_space<vmem>>[vector<16xi32>], vector<16xi32>,
      %sub3A = arith.constant 0 : i32
      %sub3A_249 = vector.broadcast %sub3A : i32 to vector<16xi32>
      %sub3A_250 = arith.subi %gather3A, %sub3A_249 : vector<16xi32>
      %lt3A = vector.broadcast %while3A_245 : i32 to vector<16xi32>
      %lt3A_251 = arith.cmpi slt, %lt3A, %scan3A_150 : vector<16xi32>
      %bitcast3A = vector.bitcast %sub3A_250 : vector<16xi32> to vector<16xi32>
      %lt3A_252 = vector.broadcast %while3A : i32 to vector<16xi32>
      %lt3A_253 = arith.cmpi ult, %bitcast3A, %lt3A_252 : vector<16xi32>
      %and3A = arith.andi %lt3A_251, %lt3A_253 : vector<16xi1>
      %and3A_254 = arith.constant 65535 : i32
      %and3A_255 = vector.broadcast %and3A_254 : i32 to vector<16xi32>
      %and3A_256 = arith.andi %sub3A_250, %and3A_255 : vector<16xi32>
      tpu.vector_store_idx %arg14[%and3A_256], %broadcast_in_dim3A_60 masked %and3A : memref<65536xf32, #tpu.memory_space<vmem>>[vector<16xi32>], vector<16xf32>, vector<16xi1>
      %while3A_257 = arith.constant 0 : i32
      scf.yield %while3A_257 : i32
    }
    %while3A_179 = arith.constant 65536 : i32
    %while3A_180 = arith.constant 0 : i32
    %while3A_181 = arith.constant 0 : i32
    %while3A_182 = arith.subi %reduce_max3A_158, %while3A_180 : i32
    %while3A_183 = arith.addi %while3A_180, %while3A_182 : i32
    %while3A_184 = arith.constant 1 : i32
    %while3A_185 = arith.divsi %while3A_182, %while3A_184 : i32
    %while3A_186 = arith.muli %while3A_185, %while3A_184 : i32
    %while3A_187 = arith.addi %while3A_180, %while3A_186 : i32
    %while3A_188 = arith.constant 1 : i32
    %while3A_189 = scf.for %while3A_245 = %while3A_180 to %while3A_187 step %while3A_188 iter_args(%while3A_246 = %while3A_181) -> (i32)  : i32 {
      %add3A_247 = vector.broadcast %while3A_245 : i32 to vector<16xi32>
      %add3A_248 = arith.addi %mul3A_69, %add3A_247 : vector<16xi32>
      %gather3A = tpu.vector_load_idx %arg10[%add3A_248] : memref<8192xi32, #tpu.memory_space<vmem>>[vector<16xi32>], vector<16xi32>,
      %sub3A = arith.constant 0 : i32
      %sub3A_249 = vector.broadcast %sub3A : i32 to vector<16xi32>
      %sub3A_250 = arith.subi %gather3A, %sub3A_249 : vector<16xi32>
      %lt3A = vector.broadcast %while3A_245 : i32 to vector<16xi32>
      %lt3A_251 = arith.cmpi slt, %lt3A, %scan3A_143 : vector<16xi32>
      %bitcast3A = vector.bitcast %sub3A_250 : vector<16xi32> to vector<16xi32>
      %lt3A_252 = vector.broadcast %while3A_179 : i32 to vector<16xi32>
      %lt3A_253 = arith.cmpi ult, %bitcast3A, %lt3A_252 : vector<16xi32>
      %and3A = arith.andi %lt3A_251, %lt3A_253 : vector<16xi1>
      %and3A_254 = arith.constant 65535 : i32
      %and3A_255 = vector.broadcast %and3A_254 : i32 to vector<16xi32>
      %and3A_256 = arith.andi %sub3A_250, %and3A_255 : vector<16xi32>
      tpu.vector_store_idx %arg14[%and3A_256], %broadcast_in_dim3A_62 masked %and3A : memref<65536xf32, #tpu.memory_space<vmem>>[vector<16xi32>], vector<16xf32>, vector<16xi1>
      %while3A_257 = arith.constant 0 : i32
      scf.yield %while3A_257 : i32
    }
    %while3A_190 = arith.constant 1 : i32
    %while3A_191 = scf.for %while3A_245 = %while3A_187 to %while3A_183 step %while3A_190 iter_args(%while3A_246 = %while3A_189) -> (i32)  : i32 {
      %add3A_247 = vector.broadcast %while3A_245 : i32 to vector<16xi32>
      %add3A_248 = arith.addi %mul3A_69, %add3A_247 : vector<16xi32>
      %gather3A = tpu.vector_load_idx %arg10[%add3A_248] : memref<8192xi32, #tpu.memory_space<vmem>>[vector<16xi32>], vector<16xi32>,
      %sub3A = arith.constant 0 : i32
      %sub3A_249 = vector.broadcast %sub3A : i32 to vector<16xi32>
      %sub3A_250 = arith.subi %gather3A, %sub3A_249 : vector<16xi32>
      %lt3A = vector.broadcast %while3A_245 : i32 to vector<16xi32>
      %lt3A_251 = arith.cmpi slt, %lt3A, %scan3A_143 : vector<16xi32>
      %bitcast3A = vector.bitcast %sub3A_250 : vector<16xi32> to vector<16xi32>
      %lt3A_252 = vector.broadcast %while3A_179 : i32 to vector<16xi32>
      %lt3A_253 = arith.cmpi ult, %bitcast3A, %lt3A_252 : vector<16xi32>
      %and3A = arith.andi %lt3A_251, %lt3A_253 : vector<16xi1>
      %and3A_254 = arith.constant 65535 : i32
      %and3A_255 = vector.broadcast %and3A_254 : i32 to vector<16xi32>
      %and3A_256 = arith.andi %sub3A_250, %and3A_255 : vector<16xi32>
      tpu.vector_store_idx %arg14[%and3A_256], %broadcast_in_dim3A_62 masked %and3A : memref<65536xf32, #tpu.memory_space<vmem>>[vector<16xi32>], vector<16xf32>, vector<16xi1>
      %while3A_257 = arith.constant 0 : i32
      scf.yield %while3A_257 : i32
    }
    %while3A_192 = arith.constant 65536 : i32
    %while3A_193 = arith.constant 0 : i32
    %while3A_194 = arith.subi %reduce_max3A_166, %while3A_193 : i32
    %while3A_195 = arith.addi %while3A_193, %while3A_194 : i32
    %while3A_196 = arith.constant 1 : i32
    %while3A_197 = arith.divsi %while3A_194, %while3A_196 : i32
    %while3A_198 = arith.muli %while3A_197, %while3A_196 : i32
    %while3A_199 = arith.addi %while3A_193, %while3A_198 : i32
    %while3A_200 = arith.constant 1 : i32
    %while3A_201 = scf.for %while3A_245 = %while3A_193 to %while3A_199 step %while3A_200 iter_args(%while3A_246 = %broadcast_in_dim3A_60) -> (vector<16xf32>)  : i32 {
      %add3A_247 = vector.broadcast %while3A_245 : i32 to vector<16xi32>
      %add3A_248 = arith.addi %mul3A_72, %add3A_247 : vector<16xi32>
      %gather3A = tpu.vector_load_idx %arg13[%add3A_248] : memref<4096xi32, #tpu.memory_space<vmem>>[vector<16xi32>], vector<16xi32>,
      %sub3A = arith.constant 0 : i32
      %sub3A_249 = vector.broadcast %sub3A : i32 to vector<16xi32>
      %sub3A_250 = arith.subi %gather3A, %sub3A_249 : vector<16xi32>
      %lt3A = vector.broadcast %while3A_245 : i32 to vector<16xi32>
      %lt3A_251 = arith.cmpi slt, %lt3A, %scan3A_150 : vector<16xi32>
      %bitcast3A = vector.bitcast %sub3A_250 : vector<16xi32> to vector<16xi32>
      %lt3A_252 = vector.broadcast %while3A_192 : i32 to vector<16xi32>
      %lt3A_253 = arith.cmpi ult, %bitcast3A, %lt3A_252 : vector<16xi32>
      %and3A = arith.andi %lt3A_251, %lt3A_253 : vector<16xi1>
      %and3A_254 = arith.constant 65535 : i32
      %and3A_255 = vector.broadcast %and3A_254 : i32 to vector<16xi32>
      %and3A_256 = arith.andi %sub3A_250, %and3A_255 : vector<16xi32>
      %gather3A_257 = tpu.vector_load_idx %arg14[%and3A_256] masked %and3A : memref<65536xf32, #tpu.memory_space<vmem>>[vector<16xi32>], vector<16xf32>, vector<16xi1>
      %jit3A = arith.constant 0.000000e+00 : f32
      %broadcast_in_dim3A_258 = vector.broadcast %jit3A : f32 to vector<16xf32>
      %select_n3A = arith.select %and3A, %gather3A_257, %broadcast_in_dim3A_258 : vector<16xi1>, vector<16xf32>
      %add3A_259 = arith.addf %while3A_246, %select_n3A : vector<16xf32>
      scf.yield %add3A_259 : vector<16xf32>
    }
    %while3A_202 = arith.constant 1 : i32
    %while3A_203 = scf.for %while3A_245 = %while3A_199 to %while3A_195 step %while3A_202 iter_args(%while3A_246 = %while3A_201) -> (vector<16xf32>)  : i32 {
      %add3A_247 = vector.broadcast %while3A_245 : i32 to vector<16xi32>
      %add3A_248 = arith.addi %mul3A_72, %add3A_247 : vector<16xi32>
      %gather3A = tpu.vector_load_idx %arg13[%add3A_248] : memref<4096xi32, #tpu.memory_space<vmem>>[vector<16xi32>], vector<16xi32>,
      %sub3A = arith.constant 0 : i32
      %sub3A_249 = vector.broadcast %sub3A : i32 to vector<16xi32>
      %sub3A_250 = arith.subi %gather3A, %sub3A_249 : vector<16xi32>
      %lt3A = vector.broadcast %while3A_245 : i32 to vector<16xi32>
      %lt3A_251 = arith.cmpi slt, %lt3A, %scan3A_150 : vector<16xi32>
      %bitcast3A = vector.bitcast %sub3A_250 : vector<16xi32> to vector<16xi32>
      %lt3A_252 = vector.broadcast %while3A_192 : i32 to vector<16xi32>
      %lt3A_253 = arith.cmpi ult, %bitcast3A, %lt3A_252 : vector<16xi32>
      %and3A = arith.andi %lt3A_251, %lt3A_253 : vector<16xi1>
      %and3A_254 = arith.constant 65535 : i32
      %and3A_255 = vector.broadcast %and3A_254 : i32 to vector<16xi32>
      %and3A_256 = arith.andi %sub3A_250, %and3A_255 : vector<16xi32>
      %gather3A_257 = tpu.vector_load_idx %arg14[%and3A_256] masked %and3A : memref<65536xf32, #tpu.memory_space<vmem>>[vector<16xi32>], vector<16xf32>, vector<16xi1>
      %jit3A = arith.constant 0.000000e+00 : f32
      %broadcast_in_dim3A_258 = vector.broadcast %jit3A : f32 to vector<16xf32>
      %select_n3A = arith.select %and3A, %gather3A_257, %broadcast_in_dim3A_258 : vector<16xi1>, vector<16xf32>
      %add3A_259 = arith.addf %while3A_246, %select_n3A : vector<16xf32>
      scf.yield %add3A_259 : vector<16xf32>
    }
    %while3A_204 = arith.constant 65536 : i32
    %while3A_205 = arith.constant 0 : i32
    %while3A_206 = arith.constant 0 : i32
    %while3A_207 = arith.subi %reduce_max3A_166, %while3A_205 : i32
    %while3A_208 = arith.addi %while3A_205, %while3A_207 : i32
    %while3A_209 = arith.constant 1 : i32
    %while3A_210 = arith.divsi %while3A_207, %while3A_209 : i32
    %while3A_211 = arith.muli %while3A_210, %while3A_209 : i32
    %while3A_212 = arith.addi %while3A_205, %while3A_211 : i32
    %while3A_213 = arith.constant 1 : i32
    %while3A_214 = scf.for %while3A_245 = %while3A_205 to %while3A_212 step %while3A_213 iter_args(%while3A_246 = %while3A_206) -> (i32)  : i32 {
      %add3A_247 = vector.broadcast %while3A_245 : i32 to vector<16xi32>
      %add3A_248 = arith.addi %mul3A_72, %add3A_247 : vector<16xi32>
      %gather3A = tpu.vector_load_idx %arg13[%add3A_248] : memref<4096xi32, #tpu.memory_space<vmem>>[vector<16xi32>], vector<16xi32>,
      %sub3A = arith.constant 65536 : i32
      %sub3A_249 = vector.broadcast %sub3A : i32 to vector<16xi32>
      %sub3A_250 = arith.subi %gather3A, %sub3A_249 : vector<16xi32>
      %lt3A = vector.broadcast %while3A_245 : i32 to vector<16xi32>
      %lt3A_251 = arith.cmpi slt, %lt3A, %scan3A_150 : vector<16xi32>
      %bitcast3A = vector.bitcast %sub3A_250 : vector<16xi32> to vector<16xi32>
      %lt3A_252 = vector.broadcast %while3A_204 : i32 to vector<16xi32>
      %lt3A_253 = arith.cmpi ult, %bitcast3A, %lt3A_252 : vector<16xi32>
      %and3A = arith.andi %lt3A_251, %lt3A_253 : vector<16xi1>
      %and3A_254 = arith.constant 65535 : i32
      %and3A_255 = vector.broadcast %and3A_254 : i32 to vector<16xi32>
      %and3A_256 = arith.andi %sub3A_250, %and3A_255 : vector<16xi32>
      tpu.vector_store_idx %arg14[%and3A_256], %broadcast_in_dim3A_60 masked %and3A : memref<65536xf32, #tpu.memory_space<vmem>>[vector<16xi32>], vector<16xf32>, vector<16xi1>
      %while3A_257 = arith.constant 0 : i32
      scf.yield %while3A_257 : i32
    }
    %while3A_215 = arith.constant 1 : i32
    %while3A_216 = scf.for %while3A_245 = %while3A_212 to %while3A_208 step %while3A_215 iter_args(%while3A_246 = %while3A_214) -> (i32)  : i32 {
      %add3A_247 = vector.broadcast %while3A_245 : i32 to vector<16xi32>
      %add3A_248 = arith.addi %mul3A_72, %add3A_247 : vector<16xi32>
      %gather3A = tpu.vector_load_idx %arg13[%add3A_248] : memref<4096xi32, #tpu.memory_space<vmem>>[vector<16xi32>], vector<16xi32>,
      %sub3A = arith.constant 65536 : i32
      %sub3A_249 = vector.broadcast %sub3A : i32 to vector<16xi32>
      %sub3A_250 = arith.subi %gather3A, %sub3A_249 : vector<16xi32>
      %lt3A = vector.broadcast %while3A_245 : i32 to vector<16xi32>
      %lt3A_251 = arith.cmpi slt, %lt3A, %scan3A_150 : vector<16xi32>
      %bitcast3A = vector.bitcast %sub3A_250 : vector<16xi32> to vector<16xi32>
      %lt3A_252 = vector.broadcast %while3A_204 : i32 to vector<16xi32>
      %lt3A_253 = arith.cmpi ult, %bitcast3A, %lt3A_252 : vector<16xi32>
      %and3A = arith.andi %lt3A_251, %lt3A_253 : vector<16xi1>
      %and3A_254 = arith.constant 65535 : i32
      %and3A_255 = vector.broadcast %and3A_254 : i32 to vector<16xi32>
      %and3A_256 = arith.andi %sub3A_250, %and3A_255 : vector<16xi32>
      tpu.vector_store_idx %arg14[%and3A_256], %broadcast_in_dim3A_60 masked %and3A : memref<65536xf32, #tpu.memory_space<vmem>>[vector<16xi32>], vector<16xf32>, vector<16xi1>
      %while3A_257 = arith.constant 0 : i32
      scf.yield %while3A_257 : i32
    }
    %while3A_217 = arith.constant 65536 : i32
    %while3A_218 = arith.constant 0 : i32
    %while3A_219 = arith.constant 0 : i32
    %while3A_220 = arith.subi %reduce_max3A_158, %while3A_218 : i32
    %while3A_221 = arith.addi %while3A_218, %while3A_220 : i32
    %while3A_222 = arith.constant 1 : i32
    %while3A_223 = arith.divsi %while3A_220, %while3A_222 : i32
    %while3A_224 = arith.muli %while3A_223, %while3A_222 : i32
    %while3A_225 = arith.addi %while3A_218, %while3A_224 : i32
    %while3A_226 = arith.constant 1 : i32
    %while3A_227 = scf.for %while3A_245 = %while3A_218 to %while3A_225 step %while3A_226 iter_args(%while3A_246 = %while3A_219) -> (i32)  : i32 {
      %add3A_247 = vector.broadcast %while3A_245 : i32 to vector<16xi32>
      %add3A_248 = arith.addi %mul3A_69, %add3A_247 : vector<16xi32>
      %gather3A = tpu.vector_load_idx %arg10[%add3A_248] : memref<8192xi32, #tpu.memory_space<vmem>>[vector<16xi32>], vector<16xi32>,
      %sub3A = arith.constant 65536 : i32
      %sub3A_249 = vector.broadcast %sub3A : i32 to vector<16xi32>
      %sub3A_250 = arith.subi %gather3A, %sub3A_249 : vector<16xi32>
      %lt3A = vector.broadcast %while3A_245 : i32 to vector<16xi32>
      %lt3A_251 = arith.cmpi slt, %lt3A, %scan3A_143 : vector<16xi32>
      %bitcast3A = vector.bitcast %sub3A_250 : vector<16xi32> to vector<16xi32>
      %lt3A_252 = vector.broadcast %while3A_217 : i32 to vector<16xi32>
      %lt3A_253 = arith.cmpi ult, %bitcast3A, %lt3A_252 : vector<16xi32>
      %and3A = arith.andi %lt3A_251, %lt3A_253 : vector<16xi1>
      %and3A_254 = arith.constant 65535 : i32
      %and3A_255 = vector.broadcast %and3A_254 : i32 to vector<16xi32>
      %and3A_256 = arith.andi %sub3A_250, %and3A_255 : vector<16xi32>
      tpu.vector_store_idx %arg14[%and3A_256], %broadcast_in_dim3A_62 masked %and3A : memref<65536xf32, #tpu.memory_space<vmem>>[vector<16xi32>], vector<16xf32>, vector<16xi1>
      %while3A_257 = arith.constant 0 : i32
      scf.yield %while3A_257 : i32
    }
    %while3A_228 = arith.constant 1 : i32
    %while3A_229 = scf.for %while3A_245 = %while3A_225 to %while3A_221 step %while3A_228 iter_args(%while3A_246 = %while3A_227) -> (i32)  : i32 {
      %add3A_247 = vector.broadcast %while3A_245 : i32 to vector<16xi32>
      %add3A_248 = arith.addi %mul3A_69, %add3A_247 : vector<16xi32>
      %gather3A = tpu.vector_load_idx %arg10[%add3A_248] : memref<8192xi32, #tpu.memory_space<vmem>>[vector<16xi32>], vector<16xi32>,
      %sub3A = arith.constant 65536 : i32
      %sub3A_249 = vector.broadcast %sub3A : i32 to vector<16xi32>
      %sub3A_250 = arith.subi %gather3A, %sub3A_249 : vector<16xi32>
      %lt3A = vector.broadcast %while3A_245 : i32 to vector<16xi32>
      %lt3A_251 = arith.cmpi slt, %lt3A, %scan3A_143 : vector<16xi32>
      %bitcast3A = vector.bitcast %sub3A_250 : vector<16xi32> to vector<16xi32>
      %lt3A_252 = vector.broadcast %while3A_217 : i32 to vector<16xi32>
      %lt3A_253 = arith.cmpi ult, %bitcast3A, %lt3A_252 : vector<16xi32>
      %and3A = arith.andi %lt3A_251, %lt3A_253 : vector<16xi1>
      %and3A_254 = arith.constant 65535 : i32
      %and3A_255 = vector.broadcast %and3A_254 : i32 to vector<16xi32>
      %and3A_256 = arith.andi %sub3A_250, %and3A_255 : vector<16xi32>
      tpu.vector_store_idx %arg14[%and3A_256], %broadcast_in_dim3A_62 masked %and3A : memref<65536xf32, #tpu.memory_space<vmem>>[vector<16xi32>], vector<16xf32>, vector<16xi1>
      %while3A_257 = arith.constant 0 : i32
      scf.yield %while3A_257 : i32
    }
    %while3A_230 = arith.constant 65536 : i32
    %while3A_231 = arith.constant 0 : i32
    %while3A_232 = arith.subi %reduce_max3A_166, %while3A_231 : i32
    %while3A_233 = arith.addi %while3A_231, %while3A_232 : i32
    %while3A_234 = arith.constant 1 : i32
    %while3A_235 = arith.divsi %while3A_232, %while3A_234 : i32
    %while3A_236 = arith.muli %while3A_235, %while3A_234 : i32
    %while3A_237 = arith.addi %while3A_231, %while3A_236 : i32
    %while3A_238 = arith.constant 1 : i32
    %while3A_239 = scf.for %while3A_245 = %while3A_231 to %while3A_237 step %while3A_238 iter_args(%while3A_246 = %while3A_203) -> (vector<16xf32>)  : i32 {
      %add3A_247 = vector.broadcast %while3A_245 : i32 to vector<16xi32>
      %add3A_248 = arith.addi %mul3A_72, %add3A_247 : vector<16xi32>
      %gather3A = tpu.vector_load_idx %arg13[%add3A_248] : memref<4096xi32, #tpu.memory_space<vmem>>[vector<16xi32>], vector<16xi32>,
      %sub3A = arith.constant 65536 : i32
      %sub3A_249 = vector.broadcast %sub3A : i32 to vector<16xi32>
      %sub3A_250 = arith.subi %gather3A, %sub3A_249 : vector<16xi32>
      %lt3A = vector.broadcast %while3A_245 : i32 to vector<16xi32>
      %lt3A_251 = arith.cmpi slt, %lt3A, %scan3A_150 : vector<16xi32>
      %bitcast3A = vector.bitcast %sub3A_250 : vector<16xi32> to vector<16xi32>
      %lt3A_252 = vector.broadcast %while3A_230 : i32 to vector<16xi32>
      %lt3A_253 = arith.cmpi ult, %bitcast3A, %lt3A_252 : vector<16xi32>
      %and3A = arith.andi %lt3A_251, %lt3A_253 : vector<16xi1>
      %and3A_254 = arith.constant 65535 : i32
      %and3A_255 = vector.broadcast %and3A_254 : i32 to vector<16xi32>
      %and3A_256 = arith.andi %sub3A_250, %and3A_255 : vector<16xi32>
      %gather3A_257 = tpu.vector_load_idx %arg14[%and3A_256] masked %and3A : memref<65536xf32, #tpu.memory_space<vmem>>[vector<16xi32>], vector<16xf32>, vector<16xi1>
      %jit3A = arith.constant 0.000000e+00 : f32
      %broadcast_in_dim3A_258 = vector.broadcast %jit3A : f32 to vector<16xf32>
      %select_n3A = arith.select %and3A, %gather3A_257, %broadcast_in_dim3A_258 : vector<16xi1>, vector<16xf32>
      %add3A_259 = arith.addf %while3A_246, %select_n3A : vector<16xf32>
      scf.yield %add3A_259 : vector<16xf32>
    }
    %while3A_240 = arith.constant 1 : i32
    %while3A_241 = scf.for %while3A_245 = %while3A_237 to %while3A_233 step %while3A_240 iter_args(%while3A_246 = %while3A_239) -> (vector<16xf32>)  : i32 {
      %add3A_247 = vector.broadcast %while3A_245 : i32 to vector<16xi32>
      %add3A_248 = arith.addi %mul3A_72, %add3A_247 : vector<16xi32>
      %gather3A = tpu.vector_load_idx %arg13[%add3A_248] : memref<4096xi32, #tpu.memory_space<vmem>>[vector<16xi32>], vector<16xi32>,
      %sub3A = arith.constant 65536 : i32
      %sub3A_249 = vector.broadcast %sub3A : i32 to vector<16xi32>
      %sub3A_250 = arith.subi %gather3A, %sub3A_249 : vector<16xi32>
      %lt3A = vector.broadcast %while3A_245 : i32 to vector<16xi32>
      %lt3A_251 = arith.cmpi slt, %lt3A, %scan3A_150 : vector<16xi32>
      %bitcast3A = vector.bitcast %sub3A_250 : vector<16xi32> to vector<16xi32>
      %lt3A_252 = vector.broadcast %while3A_230 : i32 to vector<16xi32>
      %lt3A_253 = arith.cmpi ult, %bitcast3A, %lt3A_252 : vector<16xi32>
      %and3A = arith.andi %lt3A_251, %lt3A_253 : vector<16xi1>
      %and3A_254 = arith.constant 65535 : i32
      %and3A_255 = vector.broadcast %and3A_254 : i32 to vector<16xi32>
      %and3A_256 = arith.andi %sub3A_250, %and3A_255 : vector<16xi32>
      %gather3A_257 = tpu.vector_load_idx %arg14[%and3A_256] masked %and3A : memref<65536xf32, #tpu.memory_space<vmem>>[vector<16xi32>], vector<16xf32>, vector<16xi1>
      %jit3A = arith.constant 0.000000e+00 : f32
      %broadcast_in_dim3A_258 = vector.broadcast %jit3A : f32 to vector<16xf32>
      %select_n3A = arith.select %and3A, %gather3A_257, %broadcast_in_dim3A_258 : vector<16xi1>, vector<16xf32>
      %add3A_259 = arith.addf %while3A_246, %select_n3A : vector<16xf32>
      scf.yield %add3A_259 : vector<16xf32>
    }
    %swap3A = arith.constant 0 : index
    %swap3A_242 = tpu.vector_load %arg15[%swap3A] {strides = array<i32>} : memref<16xf32, #tpu.memory_space<vmem>>, vector<16xf32>,
    tpu.vector_store %arg15[%swap3A], %while3A_241 {strides = array<i32>} : memref<16xf32, #tpu.memory_space<vmem>>, vector<16xf32>,
    %mul3A_243 = arith.constant 16 : i32
    %mul3A_244 = arith.muli %add3A, %mul3A_243 : i32
    "tpu.region"() ({
      %run_scoped3A = tpu.sem_alloc : memref<!tpu.dma_semaphore, #tpu.memory_space<semaphore_mem>>
      %dma_start3A_245 = tpu.memref_slice %arg6[%mul3A_244] : memref<512xf32, #tpu.memory_space<hbm>> -> memref<16xf32, #tpu.memory_space<hbm>>
      %dma_start3A_246 = tpu.memref_slice %arg6[%mul3A_244] : memref<512xf32, #tpu.memory_space<hbm>> -> memref<16xf32, #tpu.memory_space<hbm>>
      tpu.enqueue_dma source(%arg15 : memref<16xf32, #tpu.memory_space<vmem>>) target(%dma_start3A_246 : memref<16xf32, #tpu.memory_space<hbm>>) target_semaphore(%run_scoped3A : memref<!tpu.dma_semaphore, #tpu.memory_space<semaphore_mem>>)
      %dma_wait3A_247 = tpu.memref_slice %arg6[%mul3A_244] : memref<512xf32, #tpu.memory_space<hbm>> -> memref<16xf32, #tpu.memory_space<hbm>>
      %dma_wait3A_248 = tpu.memref_slice %arg6[%mul3A_244] : memref<512xf32, #tpu.memory_space<hbm>> -> memref<16xf32, #tpu.memory_space<hbm>>
      tpu.wait_dma2 semaphore(%run_scoped3A : memref<!tpu.dma_semaphore, #tpu.memory_space<semaphore_mem>>) src(%arg15 : memref<16xf32, #tpu.memory_space<vmem>>) dst(%dma_wait3A_248 : memref<16xf32, #tpu.memory_space<hbm>>)
      tpu.yield
    }) : () -> ()
    return
  }
}

module attributes {stable_mosaic.version = 14 : i64} {
  func.func @_tc_fine_body(%arg0: memref<3x30720xf32, #tpu.memory_space<vmem>>, %arg1: memref<3x30720xf32, #tpu.memory_space<vmem>>, %arg2: memref<4x4xf32, #tpu.memory_space<vmem>>, %arg3: memref<4x4xf32, #tpu.memory_space<vmem>>, %arg4: memref<1x8xf32, #tpu.memory_space<vmem>>) attributes {dimension_semantics = [], scalar_prefetch = 0 : i64, scratch_operands = 0 : i64, tpu.core_type = #tpu.core_type<tc>} {
    %get3A = arith.constant 0 : index
    %get3A_0 = arith.constant 0 : index
    %get3A_1 = vector.load %arg2[%get3A, %get3A_0] : memref<4x4xf32, #tpu.memory_space<vmem>>, vector<4x4xf32>
    %get3A_2 = arith.constant 0 : index
    %get3A_3 = arith.constant 0 : index
    %get3A_4 = vector.load %arg3[%get3A_2, %get3A_3] : memref<4x4xf32, #tpu.memory_space<vmem>>, vector<4x4xf32>
    %get3A_5 = arith.constant 0 : index
    %get3A_6 = arith.constant 0 : index
    %get3A_7 = vector.load %arg0[%get3A_5, %get3A_6] : memref<3x30720xf32, #tpu.memory_space<vmem>>, vector<3x30720xf32>
    %get3A_8 = arith.constant 0 : index
    %get3A_9 = arith.constant 0 : index
    %get3A_10 = vector.load %arg1[%get3A_8, %get3A_9] : memref<3x30720xf32, #tpu.memory_space<vmem>>, vector<3x30720xf32>
    %slice3A = vector.extract_strided_slice %get3A_10 {offsets = [0, 0], sizes = [1, 30720], strides = [1, 1]} : vector<3x30720xf32> to vector<1x30720xf32>
    %slice3A_11 = vector.extract_strided_slice %get3A_10 {offsets = [1, 0], sizes = [1, 30720], strides = [1, 1]} : vector<3x30720xf32> to vector<1x30720xf32>
    %slice3A_12 = vector.extract_strided_slice %get3A_10 {offsets = [2, 0], sizes = [1, 30720], strides = [1, 1]} : vector<3x30720xf32> to vector<1x30720xf32>
    %slice3A_13 = vector.extract_strided_slice %get3A_7 {offsets = [0, 0], sizes = [1, 30720], strides = [1, 1]} : vector<3x30720xf32> to vector<1x30720xf32>
    %slice3A_14 = vector.extract_strided_slice %get3A_1 {offsets = [0, 0], sizes = [1, 1], strides = [1, 1]} : vector<4x4xf32> to vector<1x1xf32>
    %squeeze3A = vector.extract %slice3A_14[0, 0] : f32 from vector<1x1xf32>
    %mul3A = vector.broadcast %squeeze3A : f32 to vector<1x30720xf32>
    %mul3A_15 = arith.mulf %mul3A, %slice3A : vector<1x30720xf32>
    %slice3A_16 = vector.extract_strided_slice %get3A_1 {offsets = [0, 1], sizes = [1, 1], strides = [1, 1]} : vector<4x4xf32> to vector<1x1xf32>
    %squeeze3A_17 = vector.extract %slice3A_16[0, 0] : f32 from vector<1x1xf32>
    %mul3A_18 = vector.broadcast %squeeze3A_17 : f32 to vector<1x30720xf32>
    %mul3A_19 = arith.mulf %mul3A_18, %slice3A_11 : vector<1x30720xf32>
    %add3A = arith.addf %mul3A_15, %mul3A_19 : vector<1x30720xf32>
    %slice3A_20 = vector.extract_strided_slice %get3A_1 {offsets = [0, 2], sizes = [1, 1], strides = [1, 1]} : vector<4x4xf32> to vector<1x1xf32>
    %squeeze3A_21 = vector.extract %slice3A_20[0, 0] : f32 from vector<1x1xf32>
    %mul3A_22 = vector.broadcast %squeeze3A_21 : f32 to vector<1x30720xf32>
    %mul3A_23 = arith.mulf %mul3A_22, %slice3A_12 : vector<1x30720xf32>
    %add3A_24 = arith.addf %add3A, %mul3A_23 : vector<1x30720xf32>
    %slice3A_25 = vector.extract_strided_slice %get3A_1 {offsets = [0, 3], sizes = [1, 1], strides = [1, 1]} : vector<4x4xf32> to vector<1x1xf32>
    %squeeze3A_26 = vector.extract %slice3A_25[0, 0] : f32 from vector<1x1xf32>
    %add3A_27 = vector.broadcast %squeeze3A_26 : f32 to vector<1x30720xf32>
    %add3A_28 = arith.addf %add3A_24, %add3A_27 : vector<1x30720xf32>
    %sub3A = arith.subf %slice3A_13, %add3A_28 : vector<1x30720xf32>
    %slice3A_29 = vector.extract_strided_slice %get3A_7 {offsets = [1, 0], sizes = [1, 30720], strides = [1, 1]} : vector<3x30720xf32> to vector<1x30720xf32>
    %slice3A_30 = vector.extract_strided_slice %get3A_1 {offsets = [1, 0], sizes = [1, 1], strides = [1, 1]} : vector<4x4xf32> to vector<1x1xf32>
    %squeeze3A_31 = vector.extract %slice3A_30[0, 0] : f32 from vector<1x1xf32>
    %mul3A_32 = vector.broadcast %squeeze3A_31 : f32 to vector<1x30720xf32>
    %mul3A_33 = arith.mulf %mul3A_32, %slice3A : vector<1x30720xf32>
    %slice3A_34 = vector.extract_strided_slice %get3A_1 {offsets = [1, 1], sizes = [1, 1], strides = [1, 1]} : vector<4x4xf32> to vector<1x1xf32>
    %squeeze3A_35 = vector.extract %slice3A_34[0, 0] : f32 from vector<1x1xf32>
    %mul3A_36 = vector.broadcast %squeeze3A_35 : f32 to vector<1x30720xf32>
    %mul3A_37 = arith.mulf %mul3A_36, %slice3A_11 : vector<1x30720xf32>
    %add3A_38 = arith.addf %mul3A_33, %mul3A_37 : vector<1x30720xf32>
    %slice3A_39 = vector.extract_strided_slice %get3A_1 {offsets = [1, 2], sizes = [1, 1], strides = [1, 1]} : vector<4x4xf32> to vector<1x1xf32>
    %squeeze3A_40 = vector.extract %slice3A_39[0, 0] : f32 from vector<1x1xf32>
    %mul3A_41 = vector.broadcast %squeeze3A_40 : f32 to vector<1x30720xf32>
    %mul3A_42 = arith.mulf %mul3A_41, %slice3A_12 : vector<1x30720xf32>
    %add3A_43 = arith.addf %add3A_38, %mul3A_42 : vector<1x30720xf32>
    %slice3A_44 = vector.extract_strided_slice %get3A_1 {offsets = [1, 3], sizes = [1, 1], strides = [1, 1]} : vector<4x4xf32> to vector<1x1xf32>
    %squeeze3A_45 = vector.extract %slice3A_44[0, 0] : f32 from vector<1x1xf32>
    %add3A_46 = vector.broadcast %squeeze3A_45 : f32 to vector<1x30720xf32>
    %add3A_47 = arith.addf %add3A_43, %add3A_46 : vector<1x30720xf32>
    %sub3A_48 = arith.subf %slice3A_29, %add3A_47 : vector<1x30720xf32>
    %slice3A_49 = vector.extract_strided_slice %get3A_7 {offsets = [2, 0], sizes = [1, 30720], strides = [1, 1]} : vector<3x30720xf32> to vector<1x30720xf32>
    %slice3A_50 = vector.extract_strided_slice %get3A_1 {offsets = [2, 0], sizes = [1, 1], strides = [1, 1]} : vector<4x4xf32> to vector<1x1xf32>
    %squeeze3A_51 = vector.extract %slice3A_50[0, 0] : f32 from vector<1x1xf32>
    %mul3A_52 = vector.broadcast %squeeze3A_51 : f32 to vector<1x30720xf32>
    %mul3A_53 = arith.mulf %mul3A_52, %slice3A : vector<1x30720xf32>
    %slice3A_54 = vector.extract_strided_slice %get3A_1 {offsets = [2, 1], sizes = [1, 1], strides = [1, 1]} : vector<4x4xf32> to vector<1x1xf32>
    %squeeze3A_55 = vector.extract %slice3A_54[0, 0] : f32 from vector<1x1xf32>
    %mul3A_56 = vector.broadcast %squeeze3A_55 : f32 to vector<1x30720xf32>
    %mul3A_57 = arith.mulf %mul3A_56, %slice3A_11 : vector<1x30720xf32>
    %add3A_58 = arith.addf %mul3A_53, %mul3A_57 : vector<1x30720xf32>
    %slice3A_59 = vector.extract_strided_slice %get3A_1 {offsets = [2, 2], sizes = [1, 1], strides = [1, 1]} : vector<4x4xf32> to vector<1x1xf32>
    %squeeze3A_60 = vector.extract %slice3A_59[0, 0] : f32 from vector<1x1xf32>
    %mul3A_61 = vector.broadcast %squeeze3A_60 : f32 to vector<1x30720xf32>
    %mul3A_62 = arith.mulf %mul3A_61, %slice3A_12 : vector<1x30720xf32>
    %add3A_63 = arith.addf %add3A_58, %mul3A_62 : vector<1x30720xf32>
    %slice3A_64 = vector.extract_strided_slice %get3A_1 {offsets = [2, 3], sizes = [1, 1], strides = [1, 1]} : vector<4x4xf32> to vector<1x1xf32>
    %squeeze3A_65 = vector.extract %slice3A_64[0, 0] : f32 from vector<1x1xf32>
    %add3A_66 = vector.broadcast %squeeze3A_65 : f32 to vector<1x30720xf32>
    %add3A_67 = arith.addf %add3A_63, %add3A_66 : vector<1x30720xf32>
    %sub3A_68 = arith.subf %slice3A_49, %add3A_67 : vector<1x30720xf32>
    %mul3A_69 = arith.mulf %sub3A, %sub3A : vector<1x30720xf32>
    %mul3A_70 = arith.mulf %sub3A_48, %sub3A_48 : vector<1x30720xf32>
    %add3A_71 = arith.addf %mul3A_69, %mul3A_70 : vector<1x30720xf32>
    %mul3A_72 = arith.mulf %sub3A_68, %sub3A_68 : vector<1x30720xf32>
    %add3A_73 = arith.addf %add3A_71, %mul3A_72 : vector<1x30720xf32>
    %iota3A = tpu.iota {dimensions = array<i32: 1>} : vector<1x30720xi32>
    %lt3A = arith.constant 30000 : i32
    %lt3A_74 = vector.broadcast %lt3A : i32 to vector<1x30720xi32>
    %lt3A_75 = arith.cmpi slt, %iota3A, %lt3A_74 : vector<1x30720xi32>
    %lt3A_76 = arith.constant 0.00999999977 : f32
    %lt3A_77 = vector.broadcast %lt3A_76 : f32 to vector<1x30720xf32>
    %lt3A_78 = arith.cmpf olt, %add3A_73, %lt3A_77 : vector<1x30720xf32>
    %and3A = arith.andi %lt3A_75, %lt3A_78 : vector<1x30720xi1>
    %jit3A = arith.constant 1.000000e+00 : f32
    %jit3A_79 = arith.constant 0.000000e+00 : f32
    %broadcast_in_dim3A = vector.broadcast %jit3A : f32 to vector<1x30720xf32>
    %broadcast_in_dim3A_80 = vector.broadcast %jit3A_79 : f32 to vector<1x30720xf32>
    %select_n3A = arith.select %and3A, %broadcast_in_dim3A, %broadcast_in_dim3A_80 : vector<1x30720xi1>, vector<1x30720xf32>
    %reduce_sum3A = vector.shape_cast %select_n3A : vector<1x30720xf32> to vector<1x1x30720xf32>
    %reduce_sum3A_81 = arith.constant dense<0.000000e+00> : vector<1xf32>
    %reduce_sum3A_82 = vector.multi_reduction <add>, %reduce_sum3A, %reduce_sum3A_81 [1, 2] : vector<1x1x30720xf32> to vector<1xf32>
    %reduce_sum3A_83 = vector.shape_cast %reduce_sum3A_82 : vector<1xf32> to vector<1x1x1xf32>
    %reduce_sum3A_84 = vector.extract %reduce_sum3A_83[0, 0, 0] : f32 from vector<1x1x1xf32>
    %mul3A_85 = arith.constant 3.33333337E-5 : f32
    %mul3A_86 = arith.mulf %reduce_sum3A_84, %mul3A_85 : f32
    %slice3A_87 = vector.extract_strided_slice %get3A_1 {offsets = [0, 0], sizes = [3, 3], strides = [1, 1]} : vector<4x4xf32> to vector<3x3xf32>
    %slice3A_88 = vector.extract_strided_slice %get3A_4 {offsets = [0, 0], sizes = [3, 3], strides = [1, 1]} : vector<4x4xf32> to vector<3x3xf32>
    %mul3A_89 = arith.mulf %slice3A_87, %slice3A_88 : vector<3x3xf32>
    %reduce_sum3A_90 = vector.shape_cast %mul3A_89 : vector<3x3xf32> to vector<1x3x3xf32>
    %reduce_sum3A_91 = arith.constant dense<0.000000e+00> : vector<1xf32>
    %reduce_sum3A_92 = vector.multi_reduction <add>, %reduce_sum3A_90, %reduce_sum3A_91 [1, 2] : vector<1x3x3xf32> to vector<1xf32>
    %reduce_sum3A_93 = vector.shape_cast %reduce_sum3A_92 : vector<1xf32> to vector<1x1x1xf32>
    %reduce_sum3A_94 = vector.extract %reduce_sum3A_93[0, 0, 0] : f32 from vector<1x1x1xf32>
    %sub3A_95 = arith.constant 1.000000e+00 : f32
    %sub3A_96 = arith.subf %reduce_sum3A_94, %sub3A_95 : f32
    %mul3A_97 = arith.constant 5.000000e-01 : f32
    %mul3A_98 = arith.mulf %sub3A_96, %mul3A_97 : f32
    %jit3A_99 = arith.constant -1.000000e+00 : f32
    %jit3A_100 = arith.constant 1.000000e+00 : f32
    %max3A = arith.maximumf %jit3A_99, %mul3A_98 : f32
    %min3A = arith.minimumf %jit3A_100, %max3A : f32
    %mul3A_101 = arith.mulf %min3A, %min3A : f32
    %sub3A_102 = arith.constant 1.000000e+00 : f32
    %sub3A_103 = arith.subf %sub3A_102, %mul3A_101 : f32
    %max3A_104 = arith.constant 0.000000e+00 : f32
    %max3A_105 = arith.maximumf %sub3A_103, %max3A_104 : f32
    %sqrt3A = math.sqrt %max3A_105 : f32
    %atan23A = math.atan2 %sqrt3A, %min3A : f32
    %mul3A_106 = arith.constant 57.2957802 : f32
    %mul3A_107 = arith.mulf %atan23A, %mul3A_106 : f32
    %slice3A_108 = vector.extract_strided_slice %get3A_1 {offsets = [0, 3], sizes = [3, 1], strides = [1, 1]} : vector<4x4xf32> to vector<3x1xf32>
    %squeeze3A_109 = vector.shape_cast %slice3A_108 : vector<3x1xf32> to vector<3xf32>
    %slice3A_110 = vector.extract_strided_slice %get3A_4 {offsets = [0, 3], sizes = [3, 1], strides = [1, 1]} : vector<4x4xf32> to vector<3x1xf32>
    %squeeze3A_111 = vector.shape_cast %slice3A_110 : vector<3x1xf32> to vector<3xf32>
    %sub3A_112 = arith.subf %squeeze3A_109, %squeeze3A_111 : vector<3xf32>
    %mul3A_113 = arith.mulf %sub3A_112, %sub3A_112 : vector<3xf32>
    %reduce_sum3A_114 = vector.shape_cast %mul3A_113 : vector<3xf32> to vector<1x3xf32>
    %reduce_sum3A_115 = arith.constant dense<0.000000e+00> : vector<1xf32>
    %reduce_sum3A_116 = vector.multi_reduction <add>, %reduce_sum3A_114, %reduce_sum3A_115 [1] : vector<1x3xf32> to vector<1xf32>
    %reduce_sum3A_117 = vector.shape_cast %reduce_sum3A_116 : vector<1xf32> to vector<1x1xf32>
    %reduce_sum3A_118 = vector.extract %reduce_sum3A_117[0, 0] : f32 from vector<1x1xf32>
    %sqrt3A_119 = math.sqrt %reduce_sum3A_118 : f32
    %lt3A_120 = arith.constant 1.500000e+01 : f32
    %lt3A_121 = arith.cmpf olt, %mul3A_107, %lt3A_120 : f32
    %lt3A_122 = arith.constant 3.000000e-01 : f32
    %lt3A_123 = arith.cmpf olt, %sqrt3A_119, %lt3A_122 : f32
    %and3A_124 = arith.andi %lt3A_121, %lt3A_123 : i1
    %jit3A_125 = arith.constant 1.000000e+00 : f32
    %jit3A_126 = arith.constant 0.000000e+00 : f32
    %select_n3A_127 = arith.select %and3A_124, %jit3A_125, %jit3A_126 : f32
    %iota3A_128 = tpu.iota {dimensions = array<i32: 1>} : vector<1x8xi32>
    %eq3A = arith.constant 1 : i32
    %eq3A_129 = vector.broadcast %eq3A : i32 to vector<1x8xi32>
    %eq3A_130 = arith.cmpi eq, %iota3A_128, %eq3A_129 : vector<1x8xi32>
    %eq3A_131 = arith.constant 2 : i32
    %eq3A_132 = vector.broadcast %eq3A_131 : i32 to vector<1x8xi32>
    %eq3A_133 = arith.cmpi eq, %iota3A_128, %eq3A_132 : vector<1x8xi32>
    %eq3A_134 = arith.constant 3 : i32
    %eq3A_135 = vector.broadcast %eq3A_134 : i32 to vector<1x8xi32>
    %eq3A_136 = arith.cmpi eq, %iota3A_128, %eq3A_135 : vector<1x8xi32>
    %eq3A_137 = arith.constant 4 : i32
    %eq3A_138 = vector.broadcast %eq3A_137 : i32 to vector<1x8xi32>
    %eq3A_139 = arith.cmpi eq, %iota3A_128, %eq3A_138 : vector<1x8xi32>
    %jit3A_140 = arith.constant 0.000000e+00 : f32
    %broadcast_in_dim3A_141 = vector.broadcast %select_n3A_127 : f32 to vector<1x8xf32>
    %broadcast_in_dim3A_142 = vector.broadcast %jit3A_140 : f32 to vector<1x8xf32>
    %select_n3A_143 = arith.select %eq3A_139, %broadcast_in_dim3A_141, %broadcast_in_dim3A_142 : vector<1x8xi1>, vector<1x8xf32>
    %broadcast_in_dim3A_144 = vector.broadcast %sqrt3A_119 : f32 to vector<1x8xf32>
    %select_n3A_145 = arith.select %eq3A_136, %broadcast_in_dim3A_144, %select_n3A_143 : vector<1x8xi1>, vector<1x8xf32>
    %broadcast_in_dim3A_146 = vector.broadcast %mul3A_107 : f32 to vector<1x8xf32>
    %select_n3A_147 = arith.select %eq3A_133, %broadcast_in_dim3A_146, %select_n3A_145 : vector<1x8xi1>, vector<1x8xf32>
    %broadcast_in_dim3A_148 = vector.broadcast %mul3A_86 : f32 to vector<1x8xf32>
    %select_n3A_149 = arith.select %eq3A_130, %broadcast_in_dim3A_148, %select_n3A_147 : vector<1x8xi1>, vector<1x8xf32>
    %swap3A = arith.constant 0 : index
    %swap3A_150 = arith.constant 0 : index
    %swap3A_151 = vector.load %arg4[%swap3A, %swap3A_150] : memref<1x8xf32, #tpu.memory_space<vmem>>, vector<1x8xf32>
    tpu.vector_store %arg4[%swap3A, %swap3A_150], %select_n3A_149 {strides = array<i32>} : memref<1x8xf32, #tpu.memory_space<vmem>>, vector<1x8xf32>,
    return
  }
}

module attributes {stable_mosaic.version = 14 : i64} {
  func.func @_tc_combine_body(%arg0: memref<512xf32, #tpu.memory_space<vmem>>, %arg1: memref<1x8xf32, #tpu.memory_space<vmem>>, %arg2: memref<5xf32, #tpu.memory_space<vmem>>) attributes {dimension_semantics = [], scalar_prefetch = 0 : i64, scratch_operands = 0 : i64, tpu.core_type = #tpu.core_type<tc>} {
    %get3A = arith.constant 0 : index
    %get3A_0 = vector.load %arg0[%get3A] : memref<512xf32, #tpu.memory_space<vmem>>, vector<512xf32>
    %reduce_sum3A = vector.shape_cast %get3A_0 : vector<512xf32> to vector<1x512xf32>
    %reduce_sum3A_1 = arith.constant dense<0.000000e+00> : vector<1xf32>
    %reduce_sum3A_2 = vector.multi_reduction <add>, %reduce_sum3A, %reduce_sum3A_1 [1] : vector<1x512xf32> to vector<1xf32>
    %reduce_sum3A_3 = vector.shape_cast %reduce_sum3A_2 : vector<1xf32> to vector<1x1xf32>
    %reduce_sum3A_4 = vector.extract %reduce_sum3A_3[0, 0] : f32 from vector<1x1xf32>
    %mul3A = arith.constant 2.44140625E-4 : f32
    %mul3A_5 = arith.mulf %reduce_sum3A_4, %mul3A : f32
    %iota3A = tpu.iota {dimensions = array<i32: 1>} : vector<1x5xi32>
    %iota3A_6 = vector.shape_cast %iota3A : vector<1x5xi32> to vector<5xi32>
    %eq3A = arith.constant 0 : i32
    %eq3A_7 = vector.broadcast %eq3A : i32 to vector<5xi32>
    %eq3A_8 = arith.cmpi eq, %iota3A_6, %eq3A_7 : vector<5xi32>
    %get3A_9 = arith.constant 0 : index
    %get3A_10 = arith.constant 0 : index
    %get3A_11 = vector.load %arg1[%get3A_9, %get3A_10] : memref<1x8xf32, #tpu.memory_space<vmem>>, vector<1x5xf32>
    %get3A_12 = vector.shape_cast %get3A_11 : vector<1x5xf32> to vector<5xf32>
    %broadcast_in_dim3A = vector.broadcast %mul3A_5 : f32 to vector<5xf32>
    %select_n3A = arith.select %eq3A_8, %broadcast_in_dim3A, %get3A_12 : vector<5xi1>, vector<5xf32>
    %swap3A = arith.constant 0 : index
    %swap3A_13 = vector.load %arg2[%swap3A] : memref<5xf32, #tpu.memory_space<vmem>>, vector<5xf32>
    tpu.vector_store %arg2[%swap3A], %select_n3A {strides = array<i32>} : memref<5xf32, #tpu.memory_space<vmem>>, vector<5xf32>,
    return
  }
}

</mosaic_0001>

<sc_bundles>
// kernel: kernel.5.cloned.1.call-start
scs
__scs_entry_jumppad:
0x0: {  	(pc) =	sbr.rel $0x88, $3  }
0x1: {  	(tag) =	ssettag $0x0;
	lr =	simm.s32 $0x1  }
0x2: {  	[smem:$0x3F99] =	sst lr;
	_ =	strace $0xD0000000  }
0x3: {  	_ = 	snop  }
0x4: {  	_ = 	snop  }
0x5: {  	_ = 	snop  }
0x6: {  	_ = 	snop  }
0x7: {  	_ = 	snop  }
__scs_overlays_trampoline_lowered:
0x8: {  	[smem:$0x3FA8] =	sst s0  }
0x9: {  	[smem:$0x3FA9] =	sst s1  }
0xa: {  	[smem:$0x3FAA] =	sst s2  }
0xb: {  	[smem:$0x3FAB] =	sst s3  }
0xc: {  	[smem:$0x3FAC] =	sst s4  }
0xd: {  	[smem:$0x3FAD] =	sst s5  }
0xe: {  	[smem:$0x3FAE] =	sst s6  }
0xf: {  	[smem:$0x3FAF] =	sst s7  }
0x10: {  	[smem:$0x3FB0] =	sst s8  }
0x11: {  	[smem:$0x3FB1] =	sst s9;
	s0 =	simm.s32 @!p0 $0x0  }
0x12: {  	s1 =	sld [smem:$0x3F97];
	s0 =	simm.s32 @p0 $0x1  }
0x13: {  	[smem:$0x3FB2] =	sst s0;
	s0 =	simm.s32 @!p1 $0x0  }
0x14: {  	s2 =	sld [smem:$0x3F96];
	s0 =	simm.s32 @p1 $0x1  }
0x15: {  	[smem:$0x3FB3] =	sst s0;
	s0 =	simm.s32 @!p2 $0x0  }
0x16: {  	s3 =	sld [smem:$0x3FDB];
	s0 =	simm.s32 @p2 $0x1  }
0x17: {  	s4 =	simm.s32 $0x1BF5;
	[smem:$0x3FB5] =	sst s0  }
0x18: {  	s0 =	sld [smem:$0x3F98];
	_ =	swait.ge [sflag:s4], $0x0  }
0x19: {  	s7 =	sld [smem:$0x3F99]  }
0x1a: {  	s8 =	sadd.s32 $0xFFFFE003, lr  }
0x1b: {  	s9 =	sadd.s32 $0xFFFFFEF7, lr;
	s5 =	simm.s32 $0xFFFFFFFF;
	p2 =	slt.u32 s8, $0xFFFFF086  }
0x1c: {  	p1 =	slt.u32 s9, $0xF7A;
	s5 =	simm.s32 @!p2 $0x0  }
0x1d: {  	s5 =	simm.s32 @p1 $0x1;
	p0 =	seq.s32 s7, s2  }
0x1e: {  	s7 =	smul.u32 @!p0 $0xF7A, s2;
	p2 =	seq.s32 @!p0 s5, $0x0  }
0x1f: {  	s9 =	smul.u32 $0xF7A, s1;
	s8 =	simm.s32 @!p0 $0x1BF5;
	p2 =	por !p2, p0  }
0x20: {  	[sflag:s8] =	ssyncset.s32 @!p0 $0xFFFFF086;
	s6 =	sadd.s32 @!p0 s3, s7;
	s7 =	simm.s32 @!p0 $0x108  }
0x21: {  	s3 =	sadd.s32 s3, s9;
	s6 =	sadd.s32 @!p0 $0x88, s6;
	s7 =	simm.s32 @p2 $0x1082  }
0x22: {  	[simem:s7], [sflag:s8] =	dma.local @!p0 [hbm:s6], $0xF7A  }
0x23: {  	s9 =	sor.u32 $0xD0000000, s2;
	s6 =	simm.s32 $0x108;
	_ =	swait.ge @!p0 [sflag:s8], $0x0  }
0x24: {  	s3 =	sadd.s32 $0x88, s3;
	s6 =	simm.s32 @!p1 $0x1082;
	[sflag:s4] =	ssyncset.s32 $0xFFFFF086  }
0x25: {  	[simem:s6], [sflag:s4] =	dma.local [hbm:s3], $0xF7A  }
0x26: {  	[smem:$0x3F99] =	sst s1;
	(tag) =	ssettag s2;
	_ =	strace s9  }
0x27: {  	s1 =	sld [smem:$0x3FA9]  }
0x28: {  	s2 =	sld [smem:$0x3FAA]  }
0x29: {  	s4 =	sld [smem:$0x3FAC]  }
0x2a: {  	p0 =	seq.s32 s5, $0x0;
	s5 =	sld [smem:$0x3FAD]  }
0x2b: {  	s6 =	sld [smem:$0x3FAE]  }
0x2c: {  	s7 =	sld [smem:$0x3FAF]  }
0x2d: {  	s3 =	simm.s32 $0x108;
	s8 =	sld [smem:$0x3FB0]  }
0x2e: {  	s3 =	simm.s32 @!p0 $0x1082;
	s9 =	sld [smem:$0x3FB1]  }
0x2f: {  	lr =	sadd.s32 s0, s3;
	s0 =	sld [smem:$0x3FA8]  }
0x30: {  	s3 =	sld [smem:$0x3FAB]  }
0x31: {  	[smem:$0x3FB4] =	sst s10  }
0x32: {  	s10 =	sld [smem:$0x3FB2];
	_ =	sdelay $0x3  }
0x33: {  	p0 =	seq.s32 s10, $0x1;
	s10 =	sld [smem:$0x3FB4];
	_ =	sdelay $0x3  }
0x34: {  	[smem:$0x3FB4] =	sst s10  }
0x35: {  	s10 =	sld [smem:$0x3FB3];
	_ =	sdelay $0x3  }
0x36: {  	p1 =	seq.s32 s10, $0x1;
	s10 =	sld [smem:$0x3FB4];
	_ =	sdelay $0x3  }
0x37: {  	[smem:$0x3FB4] =	sst s10  }
0x38: {  	s10 =	sld [smem:$0x3FB5]  }
0x39: {  	_ = 	snop;
	(pc) =	sbr.ind lr, $3  }
0x3a: {  	_ = 	snop  }
0x3b: {  	_ = 	snop  }
0x3c: {  	p2 =	seq.s32 s10, $0x1;
	s10 =	sld [smem:$0x3FB4]  }
0x3d: {  	_ =	shalt  }
0x3e: {  	_ =	shalt  }
0x3f: {  	_ =	shalt  }
0x40: {  	_ =	shalt  }
0x41: {  	_ =	shalt  }
0x42: {  	_ =	shalt  }
0x43: {  	_ =	shalt  }
0x44: {  	_ =	shalt  }
0x45: {  	_ =	shalt  }
0x46: {  	_ =	shalt  }
0x47: {  	_ =	shalt  }
0x48: {  	_ =	shalt  }
0x49: {  	_ =	shalt  }
0x4a: {  	_ =	shalt  }
0x4b: {  	_ =	shalt  }
0x4c: {  	_ =	shalt  }
0x4d: {  	_ =	shalt  }
0x4e: {  	_ =	shalt  }
0x4f: {  	_ =	shalt  }
0x50: {  	_ =	shalt  }
0x51: {  	_ =	shalt  }
0x52: {  	_ =	shalt  }
0x53: {  	_ =	shalt  }
0x54: {  	_ =	shalt  }
0x55: {  	_ =	shalt  }
0x56: {  	_ =	shalt  }
0x57: {  	_ =	shalt  }
0x58: {  	_ =	shalt  }
0x59: {  	_ =	shalt  }
0x5a: {  	_ =	shalt  }
0x5b: {  	_ =	shalt  }
0x5c: {  	_ =	shalt  }
0x5d: {  	_ =	shalt  }
0x5e: {  	_ =	shalt  }
0x5f: {  	_ =	shalt  }
0x60: {  	_ =	shalt  }
0x61: {  	_ =	shalt  }
0x62: {  	_ =	shalt  }
0x63: {  	_ =	shalt  }
0x64: {  	_ =	shalt  }
0x65: {  	_ =	shalt  }
0x66: {  	_ =	shalt  }
0x67: {  	_ =	shalt  }
0x68: {  	_ =	shalt  }
0x69: {  	_ =	shalt  }
0x6a: {  	_ =	shalt  }
0x6b: {  	_ =	shalt  }
0x6c: {  	_ =	shalt  }
0x6d: {  	_ =	shalt  }
0x6e: {  	_ =	shalt  }
0x6f: {  	_ =	shalt  }
0x70: {  	_ =	shalt  }
0x71: {  	_ =	shalt  }
0x72: {  	_ =	shalt  }
0x73: {  	_ =	shalt  }
0x74: {  	_ =	shalt  }
0x75: {  	_ =	shalt  }
0x76: {  	_ =	shalt  }
0x77: {  	_ =	shalt  }
0x78: {  	_ =	shalt  }
0x79: {  	_ =	shalt  }
0x7a: {  	_ =	shalt  }
0x7b: {  	_ =	shalt  }
0x7c: {  	_ =	shalt  }
0x7d: {  	_ =	shalt  }
0x7e: {  	_ =	shalt  }
0x7f: {  	_ =	shalt  }
0x80: {  	_ =	shalt  }
0x81: {  	_ =	shalt  }
0x82: {  	_ =	shalt  }
0x83: {  	_ =	shalt  }
0x84: {  	_ =	shalt  }
0x85: {  	_ =	shalt  }
0x86: {  	_ =	shalt  }
0x87: {  	_ =	shalt  }
.Lfunc_end0:
.L_simem_size_0:
called_computation_lowered:
.L_overlay_start_0:
0x88: {  	s2 =	sld [smem:$0x3FD9]  }
0x89: {  	s3 =	sld [smem:$0x3FFE];
	_ =	sdelay $0x1  }
0x8a: {  	s1 =	srdreg.scid  }
0x8b: {  	s0 =	sand.u32 $0x1, s1  }
0x8c: {  	s17 =	sshll.u32 s0, $0xA;
	s2 =	sadd.s32 s3, s2  }
0x8d: {  	s2 =	sadd.s32 s2, s17  }
0x8e: {  	[smem:$0x3FC0] =	sst s2  }
0x8f: {  	_ = 	snop  }
0x90: {  	s2 =	sld [smem:$0x3FC9]  }
0x91: {  	s18 =	sld [smem:$0x3FC7]  }
0x92: {  	s4 =	sld [smem:$0x3FC6];
	(tm) =	ssettm $0x1  }
0x93: {  	s5 =	sld [smem:$0x3FFB];
	_ =	sdelay $0x3  }
0x94: {  	_ =	strace s5  }
0x95: {  	s5 =	sld [smem:$0x3FFC];
	_ =	sdelay $0x3  }
0x96: {  	_ =	strace s5  }
0x97: {  	s5 =	sld [smem:$0x3FFD];
	_ =	sdelay $0x3  }
0x98: {  	_ =	strace s5  }
0x99: {  	_ =	strace $0x8FFFFFFF  }
0x9a: {  	s19 =	sld [smem:$0x3FDB];
	_ =	sdelay $0x1  }
0x9b: {  	s6 =	simm.s32 $_scs_section_size  }
0x9c: {  	s7 =	simm.s32 $_size__tile_overlayer_lowered;
	s8 =	simm.s32 $_tile_overlayer_lowered  }
0x9d: {  	s22 =	simm.s32 $0x1BFF;
	s21 =	sshll.u32 s8, $0x1;
	s5 =	sadd.s32 s6, s19  }
0x9e: {  	s9 =	simm.s32 $0x0;
	s20 =	sshll.u32 s7, $0x1;
	s7 =	sadd.s32 s21, s5  }
0x9f: {  	[timem:s9], [sflag:s22] =	dma.local [hbm:s7], s20  }
0xa0: {  	_ =	swait.ge [sflag:s22], s20  }
0xa1: {  	s6 =	ssub.s32 $0x0, s20;
	[sflag:s22] =	ssyncset.done $0x0  }
0xa2: {  	[sflag:s22] =	ssyncadd.s32 s6;
	_ =	sdelay $0x1  }
0xa3: {  	s23 =	simm.s32 $0x1B8B  }
0xa4: {  	_ =	swait.ge [sflag:s23], $0x1  }
0xa5: {  	[sflag:s23] =	ssyncset.done $0x0  }
0xa6: {  	s25 =	simm.s32 $0x1B8E;
	s24 =	sld [smem:$0x3FFE];
	[sflag:s23] =	ssyncadd.s32 $0xFFFFFFFF  }
0xa7: {  	s26 =	simm.s32 $execute0_lowered;
	[smem:$0x3FD2] =	sst s25  }
0xa8: {  	s7 =	sshll.u32 s26, $0x1;
	_ =	strace $0x80000046;
	[dreg:$0x1] =	wrdreg $0xFFFFFFFF  }
0xa9: {  	s28 =	simm.s32 $_size_execute0_lowered;
	s5 =	sadd.s32 s5, s7;
	[dreg:$0x0] =	wrdreg $0x0  }
0xaa: {  	s7 =	sshll.u32 s28, $0x1;
	[dreg:$0x2] =	wrdreg s5  }
0xab: {  	[dreg:$0x3] =	wrdreg s7  }
0xac: {  	[dreg:$0x4] =	wrdreg $0xC0  }
0xad: {  	_ =	task [dreg:s9], $0x5FFFF  }
0xae: {  	[dreg:$0x1] =	wrdreg $0xFFFFFFFF  }
0xaf: {  	[dreg:$0x0] =	wrdreg $0x60  }
0xb0: {  	[dreg:$0x2] =	wrdreg s24  }
0xb1: {  	[dreg:$0x3] =	wrdreg s2  }
0xb2: {  	[dreg:$0x4] =	wrdreg s18  }
0xb3: {  	[dreg:$0x5] =	wrdreg s4  }
0xb4: {  	[dreg:$0x6] =	wrdreg $0x9  }
0xb5: {  	_ =	task.clear_ibuf [dreg:s9], $0x7FFFF;
	_ =	strace $0x90000046  }
0xb6: {  	s29 =	simm.s32 $0x9;
	_ =	strace $0x80000048  }
0xb7: {  	_ =	swait.ge [sflag:s29], $0x1  }
0xb8: {  	[sflag:s29] =	ssyncadd.s32 $0xFFFFFFFF  }
0xb9: {  	_ =	strace $0x90000048  }
0xba: {  	_ =	sfence  }
0xbb: {  	s30 =	sld [smem:$0x0];
	_ =	sdelay $0x2  }
0xbc: {  	s31 =	sshll.u32 s1, $0xD;
	s1 =	sshrl.u32 s1, $0x2  }
0xbd: {  	s3 =	sand.u32 $0x4000, s31;
	s1 =	sadd.s32 s1, s30  }
0xbe: {  	s0 =	sor.u32 s3, s0;
	s1 =	sshll.u32 s1, $0x11  }
0xbf: {  	s0 =	sor.u32 s1, s0  }
0xc0: {  	s0 =	sadd.s32 $0x8F2B, s0  }
0xc1: {  	[sflag:s0] =	ssyncadd.remote.s32 $0x1  }
0xc2: {  	_ =	sfence.sel $0xFFFF  }
0xc3: {  	[dreg:$0x0] =	wrdreg $0xFFFFFFFF;
	(pc) =	sbr.abs _section_cstart, $3  }
0xc4: {  	[dreg:$0x1] =	wrdreg $0xFFFFFFFF  }
0xc5: {  	_ =	task.clear_ibuf [dreg:s9], $0x2FFFF;
	_ =	strace $0x9FFFFFFF  }
0xc6: {  	(tm) =	ssettm $0x7FFFFFFF  }
0xc7: {  	_ =	shalt  }
tec
execute0_lowered:
.L_overlay_start_1:
0x0: {  	(tag) =	ssettag $0x1  }
0x1: {  	s0 =	rddreg [dreg:$0x0]  }
0x2: {  	s1 =	rddreg [dreg:$0x1];
	s2 =	srdreg.scid  }
0x3: {  	s3 =	stileid.u32;
	s5 =	simm.s32 $0x0;
	s15 =	simm.s32 $0x1000  }
0x4: {  	s16 =	simm.s32 $0x3000;
	s17 =	simm.s32 $0x5000;
	s18 =	simm.s32 $0x8000  }
0x5: {  	s19 =	simm.s32 $0x9000;
	s20 =	simm.s32 $0x1;
	s21 =	simm.s32 $0x6000  }
0x6: {  	s22 =	simm.s32 $0x2;
	s23 =	simm.s32 $0x3;
	s24 =	simm.s32 $0xA000  }
0x7: {  	s25 =	simm.s32 $0xB000;
	s26 =	simm.s32 $0x1B000;
	s28 =	simm.s32 $0x4  }
0x8: {  	s29 =	simm.s32 $0x0;
	s2 =	sand.u32 $0x1, s2;
	s3 =	sshll.u32 s3, $0x1  }
0x9: {  	[smem:$0x7FF] =	sst s5;
	s6 =	sadd.s32 $0xE00, s0;
	s8 =	sadd.s32 $0x1000, s0  }
.Ltmp0:
0xa: {  	s9 =	sadd.s32 $0x1400, s0;
	s10 =	sadd.s32 $0x200, s1;
	(pc) =	sbr.rel .LBB2_1-.Ltmp0, $4  }
0xb: {  	s3 =	sor.u32 s2, s3;
	s2 =	ssub.s32 $0x2, s2;
	_ =	strace $0x80000047  }
0xc: {  	v3 =	vlaneseq.u32;
	s4 =	sshll.u32 s3, $0x1;
	s7 =	sshrl.u32 s2, $0x1;
	s3 =	sshll.u32 s3, $0x11  }
0xd: {  	v1 =	vimm.s32 $0x0;
	v2 =	vmul.u32 $0x200, v3;
	v3 =	vmul.u32 $0x100, v3;
	s4 =	sadd.s32 s4, s0;
	s2 =	ssub.s32 s2, s7;
	s31 =	ssub.s32 $0x0, s3  }
0xe: {  	v4 =	vimm.f32 $0.0e+00;
	v5 =	vimm.f32 $1.000000000e+00;
	s7 =	sadd.s32 $0x1200, s0;
	s11 =	sadd.s32 $0x1600, s4;
	s12 =	smax.u32 s2, $0x1;
	v0 =	vmov s31  }
.LBB2_34:
0xf: {  	v10 =	vmov v8  }
.LBB2_48:
0x10: {  	_ =	sdelay $0x2  }
0x11: {  	v16 =	vmov @p0 s2;
	v17 =	vand.u32 @p0 $0xFFFF0000, v13  }
0x12: {  	v6 =	vld.idx.msk [tilespmem:v6+s24+$0x0], $0xffff;
	vm4 =	vlt.s32 @p0 v16, v7;
	vm5 =	veq.s32 @p0 v17, $0x10000  }
0x13: {  	vm4 =	vmand @p0 vm4, vm5  }
0x14: {  	v13 =	vand.u32 @p0 $0xFFFF, v13;
	vm1 =	vmmov @p0 vm4  }
0x15: {  	v12 =	vpsel p0, v13, v12;
	_ =	sdelay $0x1  }
0x16: {  	v9 =	vld.idx.msk @p1 [tilespmem:v9+s25+$0x0], vm0;
	v62 =	vmov s0;
	v63 =	vand.u32 $0xFFFF0000, v6  }
0x17: {  	vm13 =	vlt.s32 v62, v7;
	vm14 =	veq.s32 v63, $0x10000  }
0x18: {  	v7 =	vadd.f32 @p3 v14, v10;
	vm4 =	vmand vm13, vm14  }
0x19: {  	v10 =	vnsel @p2 vm3, $0x0, v15;
	v6 =	vand.u32 $0xFFFF, v6;
	v12 =	vld.idx.msk @p0 [tilespmem:v12+s25+$0x0], vm1  }
0x1a: {  	vm0 =	vmmov @p1 vm0;
	v7 =	vpsel p3, v7, v8;
	v10 =	vpsel p2, v10, v0  }
0x1b: {  	vm2 =	vmmov @p1 vm0;
	v9 =	vpsel p1, v9, v11;
	v7 =	vadd.f32 @p2 v10, v7  }
0x1c: {  	v9 =	vnsel @p1 vm2, $0x0, v9  }
0x1d: {  	vm0 =	vmmov @p0 vm1;
	v7 =	vpsel p2, v7, v8;
	v9 =	vpsel p1, v9, v0  }
0x1e: {  	vm0 =	vmmov @p0 vm0;
	v7 =	vadd.f32 @p1 v9, v7;
	v6 =	vld.idx.msk [tilespmem:v6+s25+$0x0], vm4;
	v10 =	vpsel p0, v12, v0  }
0x1f: {  	v9 =	vnsel @p0 vm0, $0x0, v10  }
0x20: {  	v7 =	vpsel p1, v7, v8;
	v9 =	vpsel p0, v9, v0  }
0x21: {  	v7 =	vadd.f32 @p0 v9, v7  }
0x22: {  	vm15 =	vmmov vm4  }
0x23: {  	v6 =	vnsel vm15, $0x0, v6;
	v7 =	vpsel p0, v7, v8  }
0x24: {  	v8 =	vadd.f32 v6, v7  }
.LBB2_49:
0x25: {  	s29 =	sadd.s32 $0x1, s29  }
0x26: {  	p0 =	sne.s32 s29, s12  }
.Ltmp1:
0x27: {  	[tilespmem:$0x1B000] =	vst v8;
	(pc) =	sbr.rel @!p0 .LBB2_50-.Ltmp1, $4  }
0x28: {  	[hbm4b:s11+s5] =	stream.linear.scatter [tilespmem:s26], [sflag:$0x4], $0x10, $0x38;
	[tilespmem:$0x1B010] =	vst v63  }
0x29: {  	_ =	swait.ge [sflag:s28], $0x10  }
0x2a: {  	[sflag:s28] =	ssyncset.done $0x0  }
0x2b: {  	[sflag:s28] =	ssyncadd.s32 $0xFFFFFFF0  }
.LBB2_1:
0x2c: {  	[tilespmem:s5], [sflag:$0x1] =	stream.linear.gather [hbm4b:s6+s5], $0x1000, $0x38;
	[tilespmem:$0x1B010] =	vst v63  }
0x2d: {  	s0 =	simm.s32 $0x2000  }
0x2e: {  	[tilespmem:s0], [sflag:$0x1] =	stream.linear.gather [hbm4b:s7+s5], $0x1000, $0x38;
	[tilespmem:$0x1B010] =	vst v63  }
0x2f: {  	s14 =	simm.s32 $0x4000  }
0x30: {  	[tilespmem:s14], [sflag:$0x1] =	stream.linear.gather [hbm4b:s1+s5], $0x1000, $0x38;
	[tilespmem:$0x1B010] =	vst v63  }
0x31: {  	_ = 	snop  }
0x32: {  	[tilespmem:s15], [sflag:$0x2] =	stream.linear.gather [hbm4b:s8+s5], $0x1000, $0x38;
	[tilespmem:$0x1B010] =	vst v63  }
0x33: {  	_ = 	snop  }
0x34: {  	[tilespmem:s16], [sflag:$0x2] =	stream.linear.gather [hbm4b:s9+s5], $0x1000, $0x38;
	[tilespmem:$0x1B010] =	vst v63  }
0x35: {  	_ = 	snop  }
0x36: {  	[tilespmem:s17], [sflag:$0x2] =	stream.linear.gather [hbm4b:s10+s5], $0x1000, $0x38;
	[tilespmem:$0x1B010] =	vst v63  }
0x37: {  	s30 =	rddreg [dreg:$0x2]  }
0x38: {  	[tilespmem:s18], [sflag:$0x3] =	stream.linear.gather [hbm4b:s30+s5], $0x1000, $0x38;
	[tilespmem:$0x1B010] =	vst v63  }
0x39: {  	s31 =	rddreg [dreg:$0x3]  }
0x3a: {  	[tilespmem:s19], [sflag:$0x3] =	stream.linear.gather [hbm4b:s31+s5], $0x1000, $0x38;
	[tilespmem:$0x1B010] =	vst v63  }
0x3b: {  	_ =	swait.ge [sflag:s20], $0x1000  }
0x3c: {  	[sflag:s20] =	ssyncset.done $0x0  }
0x3d: {  	[sflag:s20] =	ssyncadd.s32 $0xFFFFF000  }
0x3e: {  	_ =	swait.ge [sflag:s20], $0x1000  }
0x3f: {  	[sflag:s20] =	ssyncset.done $0x0  }
0x40: {  	[sflag:s20] =	ssyncadd.s32 $0xFFFFF000  }
0x41: {  	_ =	swait.ge [sflag:s20], $0x1000  }
0x42: {  	[sflag:s20] =	ssyncset.done $0x0  }
0x43: {  	s0 =	simm.s32 $0x0;
	[sflag:s20] =	ssyncadd.s32 $0xFFFFF000  }
0x44: {  	v10 =	vld [tilespmem:s0+$0x30]  }
0x45: {  	v13 =	vld [tilespmem:s0+$0x2030]  }
0x46: {  	v7 =	vld [tilespmem:s0+$0x4010]  }
0x47: {  	v6 =	vld [tilespmem:s0+$0x4020]  }
0x48: {  	v8 =	vld [tilespmem:s0+$0x2020]  }
0x49: {  	v14 =	vld [tilespmem:s0+$0x4000]  }
0x4a: {  	v9 =	vld [tilespmem:s0+$0x20]  }
0x4b: {  	v11 =	vld [tilespmem:s0+$0x2010]  }
0x4c: {  	v12 =	vld [tilespmem:s0+$0x10]  }
0x4d: {  	v15 =	vld [tilespmem:s0+$0x0]  }
0x4e: {  	v16 =	vld [tilespmem:s0+$0x2000]  }
0x4f: {  	v17 =	vld [tilespmem:s0+$0x50]  }
0x50: {  	v18 =	vld [tilespmem:s0+$0x40]  }
0x51: {  	v20 =	vld [tilespmem:s0+$0x2040]  }
0x52: {  	v23 =	vld [tilespmem:s0+$0x2050];
	v8 =	vadd.s32 v0, v8;
	v9 =	vshll.u32 v9, $0xB;
	vm0 =	vgt.f32 v6, $0.0e+00  }
0x53: {  	v11 =	vadd.s32 v0, v11;
	vm1 =	vgt.f32 v7, $0.0e+00;
	v15 =	vshll.u32 v15, $0xB  }
0x54: {  	v10 =	vshll.u32 v10, $0xB;
	v13 =	vadd.s32 v0, v13;
	vm3 =	vgt.f32 v14, $0.0e+00  }
0x55: {  	v17 =	vshll.u32 v17, $0xB;
	v6 =	vadd.s32 v9, v8;
	v8 =	vshll.u32 v12, $0xB  }
0x56: {  	v19 =	vld [tilespmem:s0+$0x4030];
	v21 =	vadd.s32 v0, v20;
	v8 =	vadd.s32 v8, v11;
	v11 =	vadd.s32 v0, v16  }
0x57: {  	v7 =	vld [tilespmem:s0+$0x4070];
	v22 =	vshll.u32 v18, $0xB;
	v23 =	vadd.s32 v0, v23;
	v11 =	vadd.s32 v15, v11  }
0x58: {  	v9 =	vadd.s32 v2, v1;
	vm2 =	vlt.u32 v6, $0x20000;
	v16 =	vld [tilespmem:s0+$0x4050];
	vm4 =	vlt.u32 v11, $0x20000  }
0x59: {  	v14 =	vld [tilespmem:s0+$0x60];
	vm0 =	vmand vm0, vm2;
	vm2 =	vlt.u32 v8, $0x20000;
	vm3 =	vmand vm3, vm4  }
0x5a: {  	v10 =	vadd.s32 v10, v13;
	v15 =	vld [tilespmem:s0+$0x4040];
	v12 =	vsel vm0, $0x1, v1;
	vm2 =	vmand vm1, vm2  }
0x5b: {  	v18 =	vld [tilespmem:s0+$0x2060];
	vm1 =	vlt.u32 v10, $0x20000;
	vm4 =	vgt.f32 v19, $0.0e+00;
	v19 =	vsel vm3, $0x1, v1  }
0x5c: {  	s2 =	simm.s32 $0x200;
	v13 =	vld [tilespmem:s0+$0x2070];
	v20 =	vsel vm2, $0x1, v1;
	vm1 =	vmand vm4, vm1;
	v19 =	vadd.s32 v19, v1  }
.LBB2_2:
0x5d: {  	p0 =	sne.s32 s2, $0x3E00;
	v21 =	vadd.s32 v22, v21;
	v17 =	vadd.s32 v17, v23;
	vm4 =	vgt.f32 v16, $0.0e+00;
	v16 =	vld [tilespmem:s0+$0x70];
	s3 =	smov.u32 s2;
	s2 =	sadd.s32 $0x200, s2  }
0x5e: {  	v23 =	vadd.s32 v2, v19;
	vm5 =	vlt.u32 v21, $0x20000;
	vm6 =	vlt.u32 v17, $0x20000;
	v22 =	vld [tilespmem:s0+$0x4060]  }
0x5f: {  	vm7 =	vgt.f32 v15, $0.0e+00;
	v15 =	vadd.s32 v20, v19;
	vm4 =	vmand vm4, vm6;
	[tilespmem:v9+s21+$0x0] =	vst.idx.msk vm3, v11  }
0x60: {  	vm3 =	vmand vm7, vm5;
	v9 =	vsel vm1, $0x1, v1;
	v11 =	vsel vm4, $0x1, v1  }
0x61: {  	v12 =	vadd.s32 v12, v15;
	v15 =	vadd.s32 v2, v15;
	v18 =	vadd.s32 v0, v18  }
0x62: {  	v14 =	vshll.u32 v14, $0xB;
	v9 =	vadd.s32 v9, v12;
	v19 =	vsel vm3, $0x1, v1  }
0x63: {  	v19 =	vadd.s32 v19, v9;
	vm5 =	vgt.f32 v22, $0.0e+00;
	[tilespmem:v23+s21+$0x0] =	vst.idx.msk vm2, v8;
	v8 =	vadd.s32 v2, v12  }
0x64: {  	v9 =	vadd.s32 v2, v9;
	v11 =	vadd.s32 v11, v19;
	v12 =	vshll.u32 v16, $0xB  }
0x65: {  	v14 =	vadd.s32 v14, v18;
	v16 =	vadd.s32 v2, v19;
	v18 =	vadd.s32 v2, v11  }
0x66: {  	v13 =	vadd.s32 v0, v13;
	vm2 =	vlt.u32 v14, $0x20000;
	[tilespmem:v15+s21+$0x0] =	vst.idx.msk vm0, v6  }
0x67: {  	vm0 =	vmand vm5, vm2;
	v6 =	vadd.s32 v12, v13  }
0x68: {  	vm2 =	vgt.f32 v7, $0.0e+00;
	vm5 =	vlt.u32 v6, $0x20000;
	v7 =	vsel vm0, $0x1, v1;
	[tilespmem:v8+s21+$0x0] =	vst.idx.msk vm1, v10  }
0x69: {  	vm1 =	vmand vm2, vm5;
	v7 =	vadd.s32 v7, v11;
	[tilespmem:v9+s21+$0x0] =	vst.idx.msk vm3, v21  }
0x6a: {  	v8 =	vsel vm1, $0x1, v1;
	v9 =	vadd.s32 v2, v7;
	[tilespmem:v16+s21+$0x0] =	vst.idx.msk vm4, v17  }
0x6b: {  	v19 =	vadd.s32 v8, v7;
	_ =	sdelay $0x1  }
0x6c: {  	[tilespmem:v18+s21+$0x0] =	vst.idx.msk vm0, v14;
	_ =	sdelay $0x1  }
0x6d: {  	s0 =	sshra.s32 s3, $0x2;
	[tilespmem:v9+s21+$0x0] =	vst.idx.msk vm1, v6  }
0x6e: {  	v10 =	vld [tilespmem:s0+$0x30]  }
0x6f: {  	v13 =	vld [tilespmem:s0+$0x2030]  }
0x70: {  	v7 =	vld [tilespmem:s0+$0x4010]  }
0x71: {  	v6 =	vld [tilespmem:s0+$0x4020]  }
0x72: {  	v8 =	vld [tilespmem:s0+$0x2020]  }
0x73: {  	v14 =	vld [tilespmem:s0+$0x4000]  }
0x74: {  	v9 =	vld [tilespmem:s0+$0x20]  }
0x75: {  	v11 =	vld [tilespmem:s0+$0x2010]  }
0x76: {  	v12 =	vld [tilespmem:s0+$0x10]  }
0x77: {  	v15 =	vld [tilespmem:s0+$0x0]  }
0x78: {  	v8 =	vadd.s32 v0, v8;
	v16 =	vld [tilespmem:s0+$0x2000]  }
0x79: {  	vm0 =	vgt.f32 v6, $0.0e+00;
	v9 =	vshll.u32 v9, $0xB;
	v17 =	vld [tilespmem:s0+$0x50]  }
0x7a: {  	v11 =	vadd.s32 v0, v11;
	v6 =	vadd.s32 v9, v8;
	v18 =	vld [tilespmem:s0+$0x40];
	v9 =	vadd.s32 v2, v19  }
0x7b: {  	vm1 =	vgt.f32 v7, $0.0e+00;
	v8 =	vshll.u32 v12, $0xB;
	vm2 =	vlt.u32 v6, $0x20000;
	v20 =	vld [tilespmem:s0+$0x4030]  }
0x7c: {  	v15 =	vshll.u32 v15, $0xB;
	v8 =	vadd.s32 v8, v11;
	vm0 =	vmand vm0, vm2;
	v7 =	vld [tilespmem:s0+$0x4070]  }
0x7d: {  	v10 =	vshll.u32 v10, $0xB;
	v11 =	vadd.s32 v0, v16;
	v21 =	vld [tilespmem:s0+$0x2040];
	v12 =	vsel vm0, $0x1, v1  }
0x7e: {  	v13 =	vadd.s32 v0, v13;
	vm2 =	vlt.u32 v8, $0x20000;
	v11 =	vadd.s32 v15, v11;
	v23 =	vld [tilespmem:s0+$0x2050]  }
.Ltmp2:
0x7f: {  	vm3 =	vgt.f32 v14, $0.0e+00;
	v17 =	vshll.u32 v17, $0xB;
	vm4 =	vlt.u32 v11, $0x20000;
	v16 =	vld [tilespmem:s0+$0x4050];
	(pc) =	sbr.rel @p0 .LBB2_2-.Ltmp2, $4  }
0x80: {  	v10 =	vadd.s32 v10, v13;
	vm3 =	vmand vm3, vm4;
	vm4 =	vgt.f32 v20, $0.0e+00;
	v15 =	vld [tilespmem:s0+$0x4040]  }
0x81: {  	vm2 =	vmand vm1, vm2;
	vm1 =	vlt.u32 v10, $0x20000;
	v13 =	vld [tilespmem:s0+$0x2070];
	v20 =	vsel vm3, $0x1, v1  }
0x82: {  	vm1 =	vmand vm4, vm1;
	v21 =	vadd.s32 v0, v21;
	v14 =	vld [tilespmem:s0+$0x60];
	v19 =	vadd.s32 v20, v19  }
0x83: {  	v22 =	vshll.u32 v18, $0xB;
	v20 =	vsel vm2, $0x1, v1;
	v23 =	vadd.s32 v0, v23;
	v18 =	vld [tilespmem:s0+$0x2060]  }
0x84: {  	_ =	sdelay $0x3  }
0x85: {  	v21 =	vadd.s32 v22, v21;
	v17 =	vadd.s32 v17, v23;
	vm4 =	vgt.f32 v16, $0.0e+00;
	v16 =	vld [tilespmem:s0+$0x4060]  }
0x86: {  	v22 =	vadd.s32 v2, v19;
	v23 =	vld [tilespmem:s0+$0x70];
	[tilespmem:v9+s21+$0x0] =	vst.idx.msk vm3, v11;
	vm3 =	vgt.f32 v7, $0.0e+00;
	vm5 =	vlt.u32 v21, $0x20000  }
0x87: {  	vm6 =	vlt.u32 v17, $0x20000;
	vm7 =	vgt.f32 v15, $0.0e+00;
	v15 =	vadd.s32 v20, v19  }
0x88: {  	v19 =	vsel vm1, $0x1, v1;
	vm4 =	vmand vm4, vm6;
	vm5 =	vmand vm7, vm5  }
0x89: {  	v12 =	vadd.s32 v12, v15;
	v15 =	vadd.s32 v2, v15;
	v13 =	vadd.s32 v0, v13  }
0x8a: {  	v20 =	vsel vm4, $0x1, v1;
	v19 =	vadd.s32 v19, v12;
	v14 =	vshll.u32 v14, $0xB  }
0x8b: {  	v12 =	vadd.s32 v2, v12;
	v18 =	vadd.s32 v0, v18;
	vm13 =	vgt.f32 v16, $0.0e+00  }
0x8c: {  	v16 =	vsel vm5, $0x1, v1;
	v23 =	vshll.u32 v23, $0xB;
	v14 =	vadd.s32 v14, v18  }
0x8d: {  	v18 =	vadd.s32 v2, v19;
	v16 =	vadd.s32 v16, v19;
	vm14 =	vlt.u32 v14, $0x20000  }
0x8e: {  	v13 =	vadd.s32 v23, v13;
	v20 =	vadd.s32 v20, v16;
	vm6 =	vmand vm13, vm14  }
0x8f: {  	v16 =	vadd.s32 v2, v16;
	vm15 =	vlt.u32 v13, $0x20000;
	v7 =	vsel vm6, $0x1, v1  }
0x90: {  	[tilespmem:v22+s21+$0x0] =	vst.idx.msk vm2, v8;
	v8 =	vadd.s32 v2, v20;
	vm2 =	vmand vm3, vm15;
	v7 =	vadd.s32 v7, v20  }
0x91: {  	[tilespmem:v15+s21+$0x0] =	vst.idx.msk vm0, v6;
	v6 =	vadd.s32 v2, v7  }
0x92: {  	[tilespmem:v12+s21+$0x0] =	vst.idx.msk vm1, v10  }
0x93: {  	[tilespmem:v18+s21+$0x0] =	vst.idx.msk vm5, v21  }
0x94: {  	[tilespmem:v16+s21+$0x0] =	vst.idx.msk vm4, v17  }
0x95: {  	[tilespmem:v8+s21+$0x0] =	vst.idx.msk vm6, v14  }
0x96: {  	[tilespmem:v6+s21+$0x0] =	vst.idx.msk vm2, v13  }
0x97: {  	_ =	swait.ge [sflag:s22], $0x1000  }
0x98: {  	[sflag:s22] =	ssyncset.done $0x0  }
0x99: {  	[sflag:s22] =	ssyncadd.s32 $0xFFFFF000  }
0x9a: {  	_ =	swait.ge [sflag:s22], $0x1000  }
0x9b: {  	[sflag:s22] =	ssyncset.done $0x0  }
0x9c: {  	[sflag:s22] =	ssyncadd.s32 $0xFFFFF000  }
0x9d: {  	_ =	swait.ge [sflag:s22], $0x1000  }
0x9e: {  	[sflag:s22] =	ssyncset.done $0x0  }
0x9f: {  	s0 =	simm.s32 $0x0;
	[sflag:s22] =	ssyncadd.s32 $0xFFFFF000  }
0xa0: {  	v10 =	vld [tilespmem:s0+$0x1030]  }
0xa1: {  	v13 =	vld [tilespmem:s0+$0x3030]  }
0xa2: {  	v8 =	vld [tilespmem:s0+$0x5010]  }
0xa3: {  	v6 =	vld [tilespmem:s0+$0x5020]  }
0xa4: {  	v9 =	vld [tilespmem:s0+$0x3020]  }
0xa5: {  	v14 =	vld [tilespmem:s0+$0x5000]  }
0xa6: {  	v11 =	vld [tilespmem:s0+$0x1020]  }
0xa7: {  	v12 =	vld [tilespmem:s0+$0x3010]  }
0xa8: {  	v15 =	vld [tilespmem:s0+$0x1010]  }
0xa9: {  	v16 =	vsel vm2, $0x1, v1;
	v17 =	vld [tilespmem:s0+$0x1000]  }
0xaa: {  	v18 =	vadd.s32 v16, v7;
	v16 =	vld [tilespmem:s0+$0x3000]  }
0xab: {  	v21 =	vld [tilespmem:s0+$0x3040]  }
0xac: {  	v20 =	vld [tilespmem:s0+$0x1040]  }
0xad: {  	v23 =	vld [tilespmem:s0+$0x3050];
	v7 =	vadd.s32 v0, v9;
	v9 =	vshll.u32 v11, $0xB;
	vm0 =	vgt.f32 v6, $0.0e+00  }
0xae: {  	v11 =	vadd.s32 v0, v12;
	vm1 =	vgt.f32 v8, $0.0e+00;
	v17 =	vshll.u32 v17, $0xB  }
0xaf: {  	v19 =	vld [tilespmem:s0+$0x1050];
	v10 =	vshll.u32 v10, $0xB;
	v13 =	vadd.s32 v0, v13;
	vm3 =	vgt.f32 v14, $0.0e+00  }
0xb0: {  	v21 =	vadd.s32 v0, v21;
	v6 =	vadd.s32 v9, v7;
	v7 =	vshll.u32 v15, $0xB;
	v15 =	vld [tilespmem:s0+$0x5030]  }
0xb1: {  	v22 =	vshll.u32 v20, $0xB;
	v8 =	vadd.s32 v7, v11;
	v11 =	vadd.s32 v0, v16  }
0xb2: {  	v14 =	vld [tilespmem:s0+$0x1060];
	v23 =	vadd.s32 v0, v23;
	v9 =	vadd.s32 v2, v18;
	v11 =	vadd.s32 v17, v11  }
0xb3: {  	v10 =	vadd.s32 v10, v13;
	vm2 =	vlt.u32 v6, $0x20000;
	v16 =	vld [tilespmem:s0+$0x5050];
	vm4 =	vlt.u32 v11, $0x20000  }
0xb4: {  	v13 =	vld [tilespmem:s0+$0x3070];
	vm0 =	vmand vm0, vm2;
	vm2 =	vlt.u32 v8, $0x20000;
	vm3 =	vmand vm3, vm4  }
0xb5: {  	v17 =	vshll.u32 v19, $0xB;
	v12 =	vsel vm0, $0x1, v1;
	vm4 =	vgt.f32 v15, $0.0e+00;
	v15 =	vld [tilespmem:s0+$0x5040]  }
0xb6: {  	v7 =	vld [tilespmem:s0+$0x5070];
	vm2 =	vmand vm1, vm2;
	vm1 =	vlt.u32 v10, $0x20000;
	v19 =	vsel vm3, $0x1, v1  }
0xb7: {  	s2 =	simm.s32 $0x200;
	v20 =	vsel vm2, $0x1, v1;
	vm1 =	vmand vm4, vm1;
	v19 =	vadd.s32 v19, v18;
	v18 =	vld [tilespmem:s0+$0x3060]  }
.LBB2_4:
0xb8: {  	p0 =	sne.s32 s2, $0x3E00;
	v21 =	vadd.s32 v22, v21;
	v17 =	vadd.s32 v17, v23;
	vm4 =	vgt.f32 v16, $0.0e+00;
	v16 =	vld [tilespmem:s0+$0x1070];
	s3 =	smov.u32 s2;
	s2 =	sadd.s32 $0x200, s2  }
0xb9: {  	v23 =	vadd.s32 v2, v19;
	vm5 =	vlt.u32 v21, $0x20000;
	vm6 =	vlt.u32 v17, $0x20000;
	v22 =	vld [tilespmem:s0+$0x5060]  }
0xba: {  	vm7 =	vgt.f32 v15, $0.0e+00;
	v15 =	vadd.s32 v20, v19;
	vm4 =	vmand vm4, vm6;
	[tilespmem:v9+s21+$0x0] =	vst.idx.msk vm3, v11  }
0xbb: {  	vm3 =	vmand vm7, vm5;
	v9 =	vsel vm1, $0x1, v1;
	v11 =	vsel vm4, $0x1, v1  }
0xbc: {  	v12 =	vadd.s32 v12, v15;
	v15 =	vadd.s32 v2, v15;
	v18 =	vadd.s32 v0, v18  }
0xbd: {  	v14 =	vshll.u32 v14, $0xB;
	v9 =	vadd.s32 v9, v12;
	v19 =	vsel vm3, $0x1, v1  }
0xbe: {  	v19 =	vadd.s32 v19, v9;
	vm5 =	vgt.f32 v22, $0.0e+00;
	[tilespmem:v23+s21+$0x0] =	vst.idx.msk vm2, v8;
	v8 =	vadd.s32 v2, v12  }
0xbf: {  	v9 =	vadd.s32 v2, v9;
	v11 =	vadd.s32 v11, v19;
	v12 =	vshll.u32 v16, $0xB  }
0xc0: {  	v14 =	vadd.s32 v14, v18;
	v16 =	vadd.s32 v2, v19;
	v18 =	vadd.s32 v2, v11  }
0xc1: {  	v13 =	vadd.s32 v0, v13;
	vm2 =	vlt.u32 v14, $0x20000;
	[tilespmem:v15+s21+$0x0] =	vst.idx.msk vm0, v6  }
0xc2: {  	vm0 =	vmand vm5, vm2;
	v6 =	vadd.s32 v12, v13  }
0xc3: {  	vm2 =	vgt.f32 v7, $0.0e+00;
	vm5 =	vlt.u32 v6, $0x20000;
	v7 =	vsel vm0, $0x1, v1;
	[tilespmem:v8+s21+$0x0] =	vst.idx.msk vm1, v10  }
0xc4: {  	vm1 =	vmand vm2, vm5;
	v7 =	vadd.s32 v7, v11;
	[tilespmem:v9+s21+$0x0] =	vst.idx.msk vm3, v21  }
0xc5: {  	v8 =	vsel vm1, $0x1, v1;
	v9 =	vadd.s32 v2, v7;
	[tilespmem:v16+s21+$0x0] =	vst.idx.msk vm4, v17  }
0xc6: {  	v19 =	vadd.s32 v8, v7;
	_ =	sdelay $0x1  }
0xc7: {  	[tilespmem:v18+s21+$0x0] =	vst.idx.msk vm0, v14;
	_ =	sdelay $0x1  }
0xc8: {  	s0 =	sshra.s32 s3, $0x2;
	[tilespmem:v9+s21+$0x0] =	vst.idx.msk vm1, v6  }
0xc9: {  	v10 =	vld [tilespmem:s0+$0x1030]  }
0xca: {  	v13 =	vld [tilespmem:s0+$0x3030]  }
0xcb: {  	v7 =	vld [tilespmem:s0+$0x5010]  }
0xcc: {  	v6 =	vld [tilespmem:s0+$0x5020]  }
0xcd: {  	v8 =	vld [tilespmem:s0+$0x3020]  }
0xce: {  	v14 =	vld [tilespmem:s0+$0x5000]  }
0xcf: {  	v9 =	vld [tilespmem:s0+$0x1020]  }
0xd0: {  	v11 =	vld [tilespmem:s0+$0x3010]  }
0xd1: {  	v12 =	vld [tilespmem:s0+$0x1010]  }
0xd2: {  	v15 =	vld [tilespmem:s0+$0x1000]  }
0xd3: {  	v8 =	vadd.s32 v0, v8;
	v16 =	vld [tilespmem:s0+$0x3000]  }
0xd4: {  	vm0 =	vgt.f32 v6, $0.0e+00;
	v9 =	vshll.u32 v9, $0xB;
	v17 =	vld [tilespmem:s0+$0x1050]  }
0xd5: {  	v11 =	vadd.s32 v0, v11;
	v6 =	vadd.s32 v9, v8;
	v18 =	vld [tilespmem:s0+$0x1040];
	v9 =	vadd.s32 v2, v19  }
0xd6: {  	vm1 =	vgt.f32 v7, $0.0e+00;
	v8 =	vshll.u32 v12, $0xB;
	vm2 =	vlt.u32 v6, $0x20000;
	v20 =	vld [tilespmem:s0+$0x5030]  }
0xd7: {  	v15 =	vshll.u32 v15, $0xB;
	v8 =	vadd.s32 v8, v11;
	vm0 =	vmand vm0, vm2;
	v7 =	vld [tilespmem:s0+$0x5070]  }
0xd8: {  	v10 =	vshll.u32 v10, $0xB;
	v11 =	vadd.s32 v0, v16;
	v21 =	vld [tilespmem:s0+$0x3040];
	v12 =	vsel vm0, $0x1, v1  }
0xd9: {  	v13 =	vadd.s32 v0, v13;
	vm2 =	vlt.u32 v8, $0x20000;
	v11 =	vadd.s32 v15, v11;
	v23 =	vld [tilespmem:s0+$0x3050]  }
.Ltmp3:
0xda: {  	vm3 =	vgt.f32 v14, $0.0e+00;
	v17 =	vshll.u32 v17, $0xB;
	vm4 =	vlt.u32 v11, $0x20000;
	v16 =	vld [tilespmem:s0+$0x5050];
	(pc) =	sbr.rel @p0 .LBB2_4-.Ltmp3, $4  }
0xdb: {  	v10 =	vadd.s32 v10, v13;
	vm3 =	vmand vm3, vm4;
	vm4 =	vgt.f32 v20, $0.0e+00;
	v15 =	vld [tilespmem:s0+$0x5040]  }
0xdc: {  	vm2 =	vmand vm1, vm2;
	vm1 =	vlt.u32 v10, $0x20000;
	v13 =	vld [tilespmem:s0+$0x3070];
	v20 =	vsel vm3, $0x1, v1  }
0xdd: {  	vm1 =	vmand vm4, vm1;
	v21 =	vadd.s32 v0, v21;
	v14 =	vld [tilespmem:s0+$0x1060];
	v19 =	vadd.s32 v20, v19  }
0xde: {  	v22 =	vshll.u32 v18, $0xB;
	v20 =	vsel vm2, $0x1, v1;
	v23 =	vadd.s32 v0, v23;
	v18 =	vld [tilespmem:s0+$0x3060]  }
0xdf: {  	_ =	sdelay $0x3  }
0xe0: {  	v21 =	vadd.s32 v22, v21;
	v17 =	vadd.s32 v17, v23;
	vm4 =	vgt.f32 v16, $0.0e+00;
	v16 =	vld [tilespmem:s0+$0x5060]  }
0xe1: {  	v22 =	vadd.s32 v2, v19;
	v23 =	vld [tilespmem:s0+$0x1070];
	[tilespmem:v9+s21+$0x0] =	vst.idx.msk vm3, v11;
	vm3 =	vgt.f32 v7, $0.0e+00;
	vm5 =	vlt.u32 v21, $0x20000  }
0xe2: {  	vm6 =	vlt.u32 v17, $0x20000;
	vm7 =	vgt.f32 v15, $0.0e+00;
	v15 =	vadd.s32 v20, v19  }
0xe3: {  	v19 =	vsel vm1, $0x1, v1;
	vm4 =	vmand vm4, vm6;
	vm5 =	vmand vm7, vm5  }
0xe4: {  	v12 =	vadd.s32 v12, v15;
	v15 =	vadd.s32 v2, v15;
	v13 =	vadd.s32 v0, v13  }
0xe5: {  	v20 =	vsel vm4, $0x1, v1;
	v14 =	vshll.u32 v14, $0xB;
	v19 =	vadd.s32 v19, v12  }
0xe6: {  	v24 =	vsel vm5, $0x1, v1;
	v12 =	vadd.s32 v2, v12;
	v18 =	vadd.s32 v0, v18  }
0xe7: {  	vm13 =	vgt.f32 v16, $0.0e+00;
	v16 =	vadd.s32 v24, v19;
	v14 =	vadd.s32 v14, v18  }
0xe8: {  	v23 =	vshll.u32 v23, $0xB;
	v18 =	vadd.s32 v2, v19;
	vm14 =	vlt.u32 v14, $0x20000  }
0xe9: {  	v20 =	vadd.s32 v20, v16;
	v13 =	vadd.s32 v23, v13;
	vm6 =	vmand vm13, vm14  }
0xea: {  	v16 =	vadd.s32 v2, v16;
	vm15 =	vlt.u32 v13, $0x20000;
	v7 =	vsel vm6, $0x1, v1  }
0xeb: {  	[tilespmem:v22+s21+$0x0] =	vst.idx.msk vm2, v8;
	v8 =	vadd.s32 v2, v20;
	vm2 =	vmand vm3, vm15;
	v7 =	vadd.s32 v7, v20  }
0xec: {  	[tilespmem:v15+s21+$0x0] =	vst.idx.msk vm0, v6;
	v6 =	vadd.s32 v2, v7  }
0xed: {  	[tilespmem:v12+s21+$0x0] =	vst.idx.msk vm1, v10  }
0xee: {  	[tilespmem:v18+s21+$0x0] =	vst.idx.msk vm5, v21  }
0xef: {  	[tilespmem:v16+s21+$0x0] =	vst.idx.msk vm4, v17  }
0xf0: {  	[tilespmem:v8+s21+$0x0] =	vst.idx.msk vm6, v14  }
0xf1: {  	[tilespmem:v6+s21+$0x0] =	vst.idx.msk vm2, v13  }
0xf2: {  	_ =	swait.ge [sflag:s23], $0x1000  }
0xf3: {  	[sflag:s23] =	ssyncset.done $0x0  }
0xf4: {  	[sflag:s23] =	ssyncadd.s32 $0xFFFFF000  }
0xf5: {  	_ =	swait.ge [sflag:s23], $0x1000  }
0xf6: {  	[sflag:s23] =	ssyncset.done $0x0  }
0xf7: {  	s31 =	simm.s32 $0x0;
	[sflag:s23] =	ssyncadd.s32 $0xFFFFF000  }
0xf8: {  	v8 =	vld [tilespmem:s31+$0x8020]  }
0xf9: {  	v9 =	vld [tilespmem:s31+$0x9020]  }
0xfa: {  	v10 =	vld [tilespmem:s31+$0x9010]  }
0xfb: {  	v11 =	vld [tilespmem:s31+$0x8010]  }
0xfc: {  	v12 =	vld [tilespmem:s31+$0x8000]  }
0xfd: {  	v13 =	vld [tilespmem:s31+$0x9000]  }
0xfe: {  	v6 =	vsel vm2, $0x1, v1;
	v14 =	vld [tilespmem:s31+$0x9040]  }
0xff: {  	v6 =	vadd.s32 v6, v7;
	v7 =	vld [tilespmem:s31+$0x8030]  }
0x100: {  	v16 =	vld [tilespmem:s31+$0x9030]  }
0x101: {  	v15 =	vimm.s32 $0x0;
	v17 =	vld [tilespmem:s31+$0x8040]  }
0x102: {  	v18 =	vadd.s32 v3, v15;
	v10 =	vadd.s32 v0, v10  }
0x103: {  	v9 =	vadd.s32 v0, v9;
	v12 =	vshll.u32 v12, $0xB;
	v8 =	vshll.u32 v8, $0xB  }
0x104: {  	v13 =	vadd.s32 v0, v13;
	v11 =	vshll.u32 v11, $0xB;
	v7 =	vshll.u32 v7, $0xB  }
0x105: {  	v8 =	vadd.s32 v8, v9;
	v12 =	vadd.s32 v12, v13;
	v9 =	vadd.s32 v11, v10  }
0x106: {  	v13 =	vld [tilespmem:s31+$0x9050];
	v10 =	vadd.s32 v0, v14;
	v11 =	vadd.s32 v0, v16;
	v16 =	vshll.u32 v17, $0xB  }
0x107: {  	v19 =	vld [tilespmem:s31+$0x9060];
	vm0 =	vlt.u32 v8, $0x20000;
	vm4 =	vlt.u32 v12, $0x20000;
	vm1 =	vlt.u32 v9, $0x20000  }
0x108: {  	v21 =	vld [tilespmem:s31+$0x8050];
	v11 =	vadd.s32 v7, v11;
	v10 =	vadd.s32 v16, v10;
	v17 =	vsel vm4, $0x1, v1  }
0x109: {  	v22 =	vld [tilespmem:s31+$0x8060];
	v14 =	vsel vm1, $0x1, v1;
	v20 =	vsel vm0, $0x1, v1;
	v7 =	vadd.s32 v17, v15  }
0x10a: {  	vm2 =	vlt.u32 v11, $0x20000;
	v15 =	vadd.s32 v14, v7;
	v14 =	vadd.s32 v3, v7  }
0x10b: {  	v17 =	vld [tilespmem:s31+$0x8070];
	v23 =	vadd.s32 v0, v13;
	v63 =	vadd.s32 v20, v15;
	v13 =	vadd.s32 v3, v15  }
0x10c: {  	v16 =	vadd.s32 v0, v19;
	vm3 =	vlt.u32 v10, $0x20000;
	v7 =	vld [tilespmem:s31+$0x9070];
	v15 =	vadd.s32 v3, v63  }
0x10d: {  	v19 =	vshll.u32 v21, $0xB;
	v21 =	vsel vm2, $0x1, v1;
	v20 =	vsel vm3, $0x1, v1  }
0x10e: {  	s0 =	simm.s32 $0x200;
	[tilespmem:v18+s24+$0x0] =	vst.idx.msk vm4, v12;
	v12 =	vadd.s32 v19, v23;
	v19 =	vshll.u32 v22, $0xB;
	v18 =	vadd.s32 v21, v63  }
.LBB2_6:
0x10f: {  	p0 =	sne.s32 s0, $0x3E00;
	v20 =	vadd.s32 v20, v18;
	[tilespmem:v14+s24+$0x0] =	vst.idx.msk vm1, v9;
	v9 =	vadd.s32 v3, v18;
	s2 =	smov.u32 s0;
	s0 =	sadd.s32 $0x200, s0  }
0x110: {  	vm1 =	vlt.u32 v12, $0x20000;
	v14 =	vshll.u32 v17, $0xB;
	[tilespmem:v13+s24+$0x0] =	vst.idx.msk vm0, v8;
	v8 =	vadd.s32 v3, v20  }
0x111: {  	v7 =	vadd.s32 v0, v7;
	v13 =	vadd.s32 v19, v16;
	v16 =	vsel vm1, $0x1, v1;
	[tilespmem:v15+s24+$0x0] =	vst.idx.msk vm2, v11  }
0x112: {  	vm0 =	vlt.u32 v13, $0x20000;
	v7 =	vadd.s32 v14, v7;
	v11 =	vadd.s32 v16, v20  }
0x113: {  	vm2 =	vlt.u32 v7, $0x20000;
	v14 =	vsel vm0, $0x1, v1;
	v15 =	vadd.s32 v3, v11  }
0x114: {  	v11 =	vadd.s32 v14, v11;
	v14 =	vsel vm2, $0x1, v1;
	[tilespmem:v9+s24+$0x0] =	vst.idx.msk vm3, v10  }
0x115: {  	v14 =	vadd.s32 v14, v11;
	v9 =	vadd.s32 v3, v11  }
0x116: {  	[tilespmem:v8+s24+$0x0] =	vst.idx.msk vm1, v12;
	_ =	sdelay $0x1  }
0x117: {  	[tilespmem:v15+s24+$0x0] =	vst.idx.msk vm0, v13;
	_ =	sdelay $0x1  }
0x118: {  	s2 =	sshra.s32 s2, $0x2;
	[tilespmem:v9+s24+$0x0] =	vst.idx.msk vm2, v7  }
0x119: {  	v7 =	vld [tilespmem:s2+$0x8020]  }
0x11a: {  	v8 =	vld [tilespmem:s2+$0x9020]  }
0x11b: {  	v9 =	vld [tilespmem:s2+$0x9010]  }
0x11c: {  	v10 =	vld [tilespmem:s2+$0x8010]  }
0x11d: {  	v11 =	vld [tilespmem:s2+$0x8000]  }
0x11e: {  	v12 =	vld [tilespmem:s2+$0x9000]  }
0x11f: {  	v13 =	vld [tilespmem:s2+$0x9040]  }
0x120: {  	v15 =	vld [tilespmem:s2+$0x8030]  }
0x121: {  	v8 =	vadd.s32 v0, v8;
	v9 =	vadd.s32 v0, v9;
	v16 =	vld [tilespmem:s2+$0x9030]  }
0x122: {  	v18 =	vadd.s32 v3, v14;
	v7 =	vshll.u32 v7, $0xB;
	v11 =	vshll.u32 v11, $0xB;
	v17 =	vld [tilespmem:s2+$0x8040]  }
0x123: {  	v8 =	vadd.s32 v7, v8;
	v10 =	vshll.u32 v10, $0xB;
	v12 =	vadd.s32 v0, v12  }
0x124: {  	vm0 =	vlt.u32 v8, $0x20000;
	v9 =	vadd.s32 v10, v9;
	v12 =	vadd.s32 v11, v12;
	v19 =	vld [tilespmem:s2+$0x8050]  }
0x125: {  	vm1 =	vlt.u32 v9, $0x20000;
	vm4 =	vlt.u32 v12, $0x20000;
	v7 =	vshll.u32 v15, $0xB;
	v15 =	vld [tilespmem:s2+$0x9050]  }
0x126: {  	v21 =	vsel vm0, $0x1, v1;
	v10 =	vadd.s32 v0, v13;
	v13 =	vsel vm1, $0x1, v1;
	v20 =	vld [tilespmem:s2+$0x9060]  }
0x127: {  	v11 =	vadd.s32 v0, v16;
	v16 =	vshll.u32 v17, $0xB;
	v22 =	vld [tilespmem:s2+$0x8060];
	v17 =	vsel vm4, $0x1, v1  }
0x128: {  	v11 =	vadd.s32 v7, v11;
	v10 =	vadd.s32 v16, v10;
	v14 =	vadd.s32 v17, v14  }
.Ltmp4:
0x129: {  	vm2 =	vlt.u32 v11, $0x20000;
	v7 =	vld [tilespmem:s2+$0x9070];
	v13 =	vadd.s32 v13, v14;
	v14 =	vadd.s32 v3, v14;
	(pc) =	sbr.rel @p0 .LBB2_6-.Ltmp4, $4  }
0x12a: {  	v23 =	vadd.s32 v0, v15;
	v17 =	vld [tilespmem:s2+$0x8070];
	v21 =	vadd.s32 v21, v13;
	v13 =	vadd.s32 v3, v13  }
0x12b: {  	vm3 =	vlt.u32 v10, $0x20000;
	v16 =	vadd.s32 v0, v20;
	[tilespmem:v18+s24+$0x0] =	vst.idx.msk vm4, v12;
	v15 =	vadd.s32 v3, v21  }
0x12c: {  	v12 =	vshll.u32 v19, $0xB;
	v18 =	vsel vm2, $0x1, v1;
	v20 =	vsel vm3, $0x1, v1  }
0x12d: {  	v12 =	vadd.s32 v12, v23;
	v19 =	vshll.u32 v22, $0xB;
	v18 =	vadd.s32 v18, v21  }
0x12e: {  	v20 =	vadd.s32 v20, v18;
	vm4 =	vlt.u32 v12, $0x20000  }
0x12f: {  	v16 =	vadd.s32 v19, v16;
	v7 =	vadd.s32 v0, v7;
	v17 =	vshll.u32 v17, $0xB  }
0x130: {  	v58 =	vsel vm4, $0x1, v1;
	vm5 =	vlt.u32 v16, $0x20000;
	v17 =	vadd.s32 v17, v7  }
0x131: {  	v19 =	vadd.s32 v58, v20;
	v7 =	vsel vm5, $0x1, v1;
	vm6 =	vlt.u32 v17, $0x20000  }
0x132: {  	v21 =	vadd.s32 v7, v19;
	v7 =	vsel vm6, $0x1, v1  }
0x133: {  	v22 =	vxor.u32 $0x80000000, v6;
	v7 =	vadd.s32 v7, v21  }
0x134: {  	(xrf0) =	vmax.scan.msk.u32 $0xffff, v22;
	v59 =	vxor.u32 $0x80000000, v7  }
0x135: {  	(xrf0) =	vmax.scan.msk.u32 $0xffff, v59;
	_ =	sdelay $0x4  }
0x136: {  	v60, _, _ =	vpop (xrf0)  }
0x137: {  	(v2sf) =	vpush v60, $0xF;
	v61, _, _ =	vpop (xrf0)  }
0x138: {  	(v2sf) =	vpush v61, $0xF;
	_ =	sdelay $0xd  }
0x139: {  	v62 =	vadd.s32 v3, v18;
	s0 =	spop (v2sf)  }
0x13a: {  	v20 =	vadd.s32 v3, v20;
	s2 =	spop (v2sf)  }
0x13b: {  	[tilespmem:v14+s24+$0x0] =	vst.idx.msk vm1, v9;
	v63 =	vadd.s32 v3, v19;
	s30 =	sxor.u32 $0x80000000, s2  }
0x13c: {  	[tilespmem:v13+s24+$0x0] =	vst.idx.msk vm0, v8;
	v8 =	vadd.s32 v3, v21;
	p0 =	sgt.s32 s30, $0x0  }
.Ltmp5:
0x13d: {  	[tilespmem:v15+s24+$0x0] =	vst.idx.msk vm2, v11;
	(pc) =	sbr.rel @!p0 .LBB2_8-.Ltmp5, $4  }
0x13e: {  	[tilespmem:v62+s24+$0x0] =	vst.idx.msk vm3, v10  }
0x13f: {  	[tilespmem:v20+s24+$0x0] =	vst.idx.msk vm4, v12  }
0x140: {  	[tilespmem:v63+s24+$0x0] =	vst.idx.msk vm5, v16  }
0x141: {  	[tilespmem:v8+s24+$0x0] =	vst.idx.msk vm6, v17;
	s2 =	simm.s32 $0x0  }
0x142: {  	v8 =	vadd.s32 s2, v3;
	_ =	sdelay $0x4  }
0x143: {  	v8 =	vld.idx.msk [tilespmem:v8+s24+$0x0], $0xffff;
	_ =	sdelay $0x1  }
0x144: {  	p1 =	seq.s32 s30, $0x1  }
.Ltmp6:
0x145: {  	_ = 	snop;
	(pc) =	sbr.rel @p1 .LBB2_14-.Ltmp6, $4  }
0x146: {  	v9 =	vmov s2  }
0x147: {  	vm0 =	vlt.s32 v9, v7;
	vm1 =	vlt.u32 v8, $0x10000  }
0x148: {  	vm0 =	vmand vm0, vm1  }
0x149: {  	s3 =	simm.s32 $0x1;
	v8 =	vand.u32 $0xFFFF, v8  }
.LBB2_13:
0x14a: {  	v9 =	vadd.s32 s3, v3;
	s4 =	smov.u32 s3;
	s3 =	sadd.s32 $0x1, s3  }
0x14b: {  	p1 =	seq.s32 s30, s3;
	_ =	sdelay $0x2  }
0x14c: {  	[tilespmem:v8+s25+$0x0] =	vst.idx.msk vm0, v4  }
0x14d: {  	v8 =	vld.idx.msk [tilespmem:v9+s24+$0x0], $0xffff;
	_ =	sdelay $0x3  }
.Ltmp7:
0x14e: {  	(pc) =	sbr.rel @!p1 .LBB2_13-.Ltmp7, $4  }
0x14f: {  	v9 =	vmov s4  }
0x150: {  	vm0 =	vlt.s32 v9, v7;
	vm1 =	vlt.u32 v8, $0x10000  }
0x151: {  	vm0 =	vmand vm0, vm1  }
0x152: {  	v8 =	vand.u32 $0xFFFF, v8  }
.LBB2_14:
0x153: {  	_ =	sdelay $0x4  }
0x154: {  	[tilespmem:v8+s25+$0x0] =	vst.idx.msk vm0, v4  }
.LBB2_8:
0x155: {  	s31 =	sxor.u32 $0x80000000, s0  }
0x156: {  	p1 =	sgt.s32 s31, $0x0  }
.Ltmp8:
0x157: {  	_ = 	snop;
	(pc) =	sbr.rel @!p1 .LBB2_9-.Ltmp8, $1  }
0x158: {  	_ =	sdelay $0x3  }
0x159: {  	v8 =	vadd.s32 s2, v2;
	_ =	sdelay $0x4  }
0x15a: {  	v8 =	vld.idx.msk [tilespmem:v8+s21+$0x0], $0xffff;
	_ =	sdelay $0x1  }
0x15b: {  	p2 =	seq.s32 s31, $0x1  }
.Ltmp9:
0x15c: {  	_ = 	snop;
	(pc) =	sbr.rel @p2 .LBB2_17-.Ltmp9, $4  }
0x15d: {  	v9 =	vmov s2  }
0x15e: {  	vm0 =	vlt.s32 v9, v6;
	vm1 =	vlt.u32 v8, $0x10000  }
0x15f: {  	vm0 =	vmand vm0, vm1  }
0x160: {  	s0 =	simm.s32 $0x1;
	v8 =	vand.u32 $0xFFFF, v8  }
.LBB2_16:
0x161: {  	v9 =	vadd.s32 s0, v2;
	s2 =	smov.u32 s0;
	s0 =	sadd.s32 $0x1, s0  }
0x162: {  	p2 =	seq.s32 s31, s0;
	_ =	sdelay $0x2  }
0x163: {  	[tilespmem:v8+s25+$0x0] =	vst.idx.msk vm0, v5  }
0x164: {  	v8 =	vld.idx.msk [tilespmem:v9+s21+$0x0], $0xffff;
	_ =	sdelay $0x3  }
.Ltmp10:
0x165: {  	(pc) =	sbr.rel @!p2 .LBB2_16-.Ltmp10, $4  }
0x166: {  	v9 =	vmov s2  }
0x167: {  	vm0 =	vlt.s32 v9, v6;
	vm1 =	vlt.u32 v8, $0x10000  }
0x168: {  	vm0 =	vmand vm0, vm1  }
0x169: {  	v8 =	vand.u32 $0xFFFF, v8  }
.LBB2_17:
0x16a: {  	_ =	sdelay $0x4  }
0x16b: {  	[tilespmem:v8+s25+$0x0] =	vst.idx.msk vm0, v5  }
.LBB2_9:
.Ltmp11:
0x16c: {  	(pc) =	sbr.rel @!p0 .LBB2_31-.Ltmp11, $2  }
0x16d: {  	_ =	sdelay $0x2  }
0x16e: {  	s0 =	simm.s32 $0x0;
	v8 =	vimm.f32 $0.0e+00  }
0x16f: {  	p2 =	seq.s32 s30, $0x1  }
.Ltmp12:
0x170: {  	_ = 	snop;
	(pc) =	sbr.rel @p2 .LBB2_11-.Ltmp12, $3  }
0x171: {  	_ =	sdelay $0x1  }
0x172: {  	s2 =	simm.s32 $0x1;
	p3 =	por $0x0, $0x0  }
0x173: {  	v9 =	vadd.s32 s0, v3;
	p4 =	por $0x0, $0x0;
	p5 =	por $0x0, $0x0;
	p6 =	por $0x0, $0x0  }
0x174: {  	s3 =	simm.s32 @!p2 $0x0  }
0x175: {  	s3 =	simm.s32 @p2 $0x1;
	p2 =	seq.s32 s30, $0x2  }
.Ltmp13:
0x176: {  	_ = 	snop;
	(pc) =	sbr.rel @p2 .LBB2_19-.Ltmp13, $2  }
0x177: {  	_ =	sdelay $0x2  }
0x178: {  	v16 =	vld.idx.msk [tilespmem:v9+s24+$0x0], $0xffff;
	s13 =	simm.s32 $0x2;
	v9 =	vadd.s32 s2, v3;
	p3 =	por $0x1, $0x1;
	[smem:$0x7FD] =	sst s3  }
0x179: {  	p2 =	seq.s32 s30, $0x3  }
.Ltmp14:
0x17a: {  	_ = 	snop;
	(pc) =	sbr.rel @p2 .LBB2_21-.Ltmp14, $4  }
0x17b: {  	_ = 	snop  }
0x17c: {  	v10 =	vmov s0  }
0x17d: {  	vm0 =	vlt.s32 v10, v7;
	vm1 =	vlt.u32 v16, $0x10000  }
0x17e: {  	v12 =	vld.idx.msk [tilespmem:v9+s24+$0x0], $0xffff;
	s4 =	simm.s32 $0x3;
	v9 =	vadd.s32 s13, v3;
	p4 =	por $0x1, $0x1;
	v10 =	vand.u32 $0xFFFF, v16;
	vm1 =	vmand vm0, vm1  }
0x17f: {  	p2 =	seq.s32 s30, $0x4  }
.Ltmp15:
0x180: {  	_ = 	snop;
	(pc) =	sbr.rel @p2 .LBB2_23-.Ltmp15, $4  }
0x181: {  	_ = 	snop  }
0x182: {  	v11 =	vmov s2  }
0x183: {  	vm0 =	vmmov vm1;
	v16 =	vld.idx.msk [tilespmem:v9+s24+$0x0], $0xffff;
	vm2 =	vlt.s32 v11, v7;
	vm3 =	vlt.u32 v12, $0x10000  }
0x184: {  	s3 =	simm.s32 $0x4;
	v9 =	vadd.s32 s4, v3;
	p5 =	por $0x1, $0x1;
	v13 =	vand.u32 $0xFFFF, v12;
	v12 =	vld.idx.msk [tilespmem:v10+s25+$0x0], vm1;
	vm2 =	vmand vm2, vm3  }
0x185: {  	_ = 	snop  }
0x186: {  	p2 =	seq.s32 s30, $0x5  }
.Ltmp16:
0x187: {  	_ = 	snop;
	(pc) =	sbr.rel @p2 .LBB2_25-.Ltmp16, $4  }
0x188: {  	v10 =	vmov s13  }
0x189: {  	vm4 =	vmmov vm0;
	vm3 =	vmmov vm2;
	v17 =	vld.idx.msk [tilespmem:v9+s24+$0x0], $0xffff;
	v9 =	vadd.s32 s3, v3  }
0x18a: {  	v11 =	vimm.f32 $0.0e+00;
	vm1 =	vlt.s32 v10, v7;
	vm5 =	vlt.u32 v16, $0x10000  }
0x18b: {  	s13 =	simm.s32 $0x5;
	v15 =	vld.idx.msk [tilespmem:v13+s25+$0x0], vm2;
	p6 =	por $0x1, $0x1;
	v10 =	vand.u32 $0xFFFF, v16;
	vm1 =	vmand vm1, vm5;
	v14 =	vnsel vm4, $0x0, v12  }
.LBB2_26:
0x18c: {  	s14 =	smov.u32 s13;
	s13 =	sadd.s32 $0x1, s13  }
0x18d: {  	v11 =	vadd.f32 v14, v11;
	vm4 =	vmmov vm3;
	vm3 =	vmmov vm1;
	p2 =	seq.s32 s30, s13  }
.Ltmp17:
0x18e: {  	(pc) =	sbr.rel @!p2 .LBB2_26-.Ltmp17, $4  }
0x18f: {  	_ = 	snop  }
0x190: {  	v14 =	vmov s4;
	s4 =	smov.u32 s3;
	s3 =	smov.u32 s14  }
0x191: {  	vm5 =	vlt.s32 v14, v7;
	vm6 =	vlt.u32 v17, $0x10000;
	v16 =	vand.u32 $0xFFFF, v17;
	v17 =	vld.idx.msk [tilespmem:v9+s24+$0x0], $0xffff  }
0x192: {  	v9 =	vadd.s32 s3, v3;
	v14 =	vnsel vm4, $0x0, v15;
	v15 =	vld.idx.msk [tilespmem:v10+s25+$0x0], vm1;
	vm1 =	vmand vm5, vm6;
	v10 =	vmovc v16  }
0x193: {  	s14 =	sld [smem:$0x7FD];
	_ =	sdelay $0x2  }
0x194: {  	s13 =	smov.u32 s4;
	s4 =	smov.u32 s3;
	v16 =	vmov v17;
	p2 =	seq.s32 s14, $0x1  }
.LBB2_28:
0x195: {  	_ =	sdelay $0x1  }
0x196: {  	v17 =	vmov @p3 s13  }
0x197: {  	vm5 =	vlt.u32 @p3 v16, $0x10000;
	vm4 =	vlt.s32 @p3 v17, v7  }
0x198: {  	v9 =	vld.idx.msk [tilespmem:v9+s24+$0x0], $0xffff;
	vm4 =	vmand @p3 vm4, vm5  }
0x199: {  	v16 =	vand.u32 @p3 $0xFFFF, v16;
	vm2 =	vmmov @p3 vm4  }
0x19a: {  	v13 =	vpsel p3, v16, v13;
	_ =	sdelay $0x1  }
0x19b: {  	v10 =	vld.idx.msk @p4 [tilespmem:v10+s25+$0x0], vm1;
	v63 =	vmov s4  }
0x19c: {  	vm14 =	vlt.s32 v63, v7;
	vm15 =	vlt.u32 v9, $0x10000  }
0x19d: {  	v11 =	vadd.f32 @p6 v14, v11;
	vm3 =	vmmov @p5 vm3;
	vm4 =	vmand vm14, vm15  }
0x19e: {  	vm1 =	vmmov @p4 vm1;
	v14 =	vnsel @p5 vm3, $0x0, v15;
	v9 =	vand.u32 $0xFFFF, v9;
	v13 =	vld.idx.msk @p3 [tilespmem:v13+s25+$0x0], vm2  }
0x19f: {  	vm0 =	vmmov @p4 vm1;
	v11 =	vpsel p6, v11, v8;
	v14 =	vpsel p5, v14, v0  }
0x1a0: {  	vm0 =	vmmov @p4 vm0;
	v11 =	vadd.f32 @p5 v14, v11;
	v10 =	vpsel p4, v10, v12  }
0x1a1: {  	vm1 =	vmmov @p3 vm2;
	v10 =	vnsel @p4 vm0, $0x0, v10  }
0x1a2: {  	v11 =	vpsel p5, v11, v8;
	vm0 =	vmmov @p3 vm1;
	v10 =	vpsel p4, v10, v0  }
0x1a3: {  	vm0 =	vmmov @p3 vm0;
	v10 =	vadd.f32 @p4 v10, v11;
	v9 =	vld.idx.msk [tilespmem:v9+s25+$0x0], vm4;
	v12 =	vpsel p3, v13, v0  }
0x1a4: {  	v11 =	vnsel @p3 vm0, $0x0, v12  }
0x1a5: {  	v10 =	vpsel p4, v10, v8;
	v11 =	vpsel p3, v11, v0  }
0x1a6: {  	vm0 =	vmmov vm4;
	v10 =	vadd.f32 @p3 v11, v10  }
0x1a7: {  	vm0 =	vmmov vm0  }
0x1a8: {  	v9 =	vnsel vm0, $0x0, v9;
	v8 =	vpsel p3, v10, v8  }
0x1a9: {  	v8 =	vadd.f32 v9, v8;
	v9 =	vadd.s32 s0, v3;
	_ =	sdelay $0x4  }
0x1aa: {  	v9 =	vld.idx.msk [tilespmem:v9+s24+$0x0], $0xffff;
	_ =	sdelay $0x3  }
.Ltmp18:
0x1ab: {  	_ = 	snop;
	(pc) =	sbr.rel @p2 .LBB2_30-.Ltmp18, $4  }
0x1ac: {  	v10 =	vmov s0;
	v11 =	vand.u32 $0xFFFF0000, v9  }
0x1ad: {  	vm0 =	vlt.s32 v10, v7;
	vm1 =	veq.s32 v11, $0x10000  }
0x1ae: {  	vm0 =	vmand vm0, vm1  }
0x1af: {  	v9 =	vand.u32 $0xFFFF, v9  }
.LBB2_29:
0x1b0: {  	v10 =	vadd.s32 s2, v3;
	s3 =	smov.u32 s2;
	s2 =	sadd.s32 $0x1, s2  }
0x1b1: {  	p2 =	seq.s32 s30, s2;
	_ =	sdelay $0x2  }
0x1b2: {  	[tilespmem:v9+s25+$0x0] =	vst.idx.msk vm0, v4  }
0x1b3: {  	v9 =	vld.idx.msk [tilespmem:v10+s24+$0x0], $0xffff;
	_ =	sdelay $0x4  }
.Ltmp19:
0x1b4: {  	(pc) =	sbr.rel @!p2 .LBB2_29-.Ltmp19, $4  }
0x1b5: {  	v10 =	vmov s3;
	v11 =	vand.u32 $0xFFFF0000, v9  }
0x1b6: {  	vm0 =	vlt.s32 v10, v7;
	vm1 =	veq.s32 v11, $0x10000  }
0x1b7: {  	vm0 =	vmand vm0, vm1  }
0x1b8: {  	v9 =	vand.u32 $0xFFFF, v9  }
.LBB2_30:
0x1b9: {  	_ =	sdelay $0x4  }
0x1ba: {  	[tilespmem:v9+s25+$0x0] =	vst.idx.msk vm0, v4  }
.LBB2_31:
.Ltmp20:
0x1bb: {  	(pc) =	sbr.rel @!p1 .LBB2_32-.Ltmp20, $1  }
0x1bc: {  	_ =	sdelay $0x3  }
0x1bd: {  	v9 =	vadd.s32 s0, v2;
	_ =	sdelay $0x4  }
0x1be: {  	v9 =	vld.idx.msk [tilespmem:v9+s21+$0x0], $0xffff;
	_ =	sdelay $0x2  }
0x1bf: {  	p1 =	seq.s32 s31, $0x1  }
.Ltmp21:
0x1c0: {  	_ = 	snop;
	(pc) =	sbr.rel @p1 .LBB2_37-.Ltmp21, $4  }
0x1c1: {  	v10 =	vmov s0;
	v11 =	vand.u32 $0xFFFF0000, v9  }
0x1c2: {  	vm0 =	vlt.s32 v10, v6;
	vm1 =	veq.s32 v11, $0x10000  }
0x1c3: {  	vm0 =	vmand vm0, vm1  }
0x1c4: {  	s0 =	simm.s32 $0x1;
	v9 =	vand.u32 $0xFFFF, v9  }
.LBB2_36:
0x1c5: {  	v10 =	vadd.s32 s0, v2;
	s2 =	smov.u32 s0;
	s0 =	sadd.s32 $0x1, s0  }
0x1c6: {  	p1 =	seq.s32 s31, s0;
	_ =	sdelay $0x2  }
0x1c7: {  	[tilespmem:v9+s25+$0x0] =	vst.idx.msk vm0, v5  }
0x1c8: {  	v9 =	vld.idx.msk [tilespmem:v10+s21+$0x0], $0xffff;
	_ =	sdelay $0x4  }
.Ltmp22:
0x1c9: {  	(pc) =	sbr.rel @!p1 .LBB2_36-.Ltmp22, $4  }
0x1ca: {  	v10 =	vmov s2;
	v11 =	vand.u32 $0xFFFF0000, v9  }
0x1cb: {  	vm0 =	vlt.s32 v10, v6;
	vm1 =	veq.s32 v11, $0x10000  }
0x1cc: {  	vm0 =	vmand vm0, vm1  }
0x1cd: {  	v9 =	vand.u32 $0xFFFF, v9  }
.LBB2_37:
0x1ce: {  	_ =	sdelay $0x4  }
0x1cf: {  	[tilespmem:v9+s25+$0x0] =	vst.idx.msk vm0, v5  }
.LBB2_32:
.Ltmp23:
0x1d0: {  	(pc) =	sbr.rel @!p0 .LBB2_49-.Ltmp23, $2  }
0x1d1: {  	_ =	sdelay $0x2  }
0x1d2: {  	s0 =	simm.s32 $0x0  }
0x1d3: {  	p4 =	sne.s32 s30, $0x1  }
.Ltmp24:
0x1d4: {  	_ = 	snop;
	(pc) =	sbr.rel @!p4 .LBB2_34-.Ltmp24, $3  }
0x1d5: {  	_ =	sdelay $0x1  }
0x1d6: {  	s2 =	simm.s32 $0x1;
	p0 =	por $0x0, $0x0  }
0x1d7: {  	v6 =	vadd.s32 s0, v3;
	p1 =	por $0x0, $0x0;
	p2 =	por $0x0, $0x0;
	p3 =	por $0x0, $0x0  }
0x1d8: {  	p4 =	sne.s32 s30, $0x2  }
.Ltmp25:
0x1d9: {  	_ = 	snop;
	(pc) =	sbr.rel @!p4 .LBB2_39-.Ltmp25, $3  }
0x1da: {  	_ =	sdelay $0x1  }
0x1db: {  	v13 =	vld.idx.msk [tilespmem:v6+s24+$0x0], $0xffff  }
0x1dc: {  	s4 =	simm.s32 $0x2;
	v6 =	vadd.s32 s2, v3;
	p0 =	por $0x1, $0x1  }
0x1dd: {  	p4 =	sne.s32 s30, $0x3  }
.Ltmp26:
0x1de: {  	_ = 	snop;
	(pc) =	sbr.rel @!p4 .LBB2_41-.Ltmp26, $4  }
0x1df: {  	_ = 	snop  }
0x1e0: {  	v9 =	vmov s0;
	v10 =	vand.u32 $0xFFFF0000, v13  }
0x1e1: {  	vm0 =	vlt.s32 v9, v7;
	vm1 =	veq.s32 v10, $0x10000  }
0x1e2: {  	v11 =	vld.idx.msk [tilespmem:v6+s24+$0x0], $0xffff;
	s3 =	simm.s32 $0x3;
	v6 =	vadd.s32 s4, v3;
	p1 =	por $0x1, $0x1;
	v9 =	vand.u32 $0xFFFF, v13;
	vm0 =	vmand vm0, vm1  }
0x1e3: {  	_ = 	snop  }
0x1e4: {  	p4 =	sne.s32 s30, $0x4  }
.Ltmp27:
0x1e5: {  	_ = 	snop;
	(pc) =	sbr.rel @!p4 .LBB2_43-.Ltmp27, $4  }
0x1e6: {  	_ = 	snop  }
0x1e7: {  	v10 =	vmov s2;
	v14 =	vand.u32 $0xFFFF0000, v11  }
0x1e8: {  	v13 =	vld.idx.msk [tilespmem:v6+s24+$0x0], $0xffff;
	v6 =	vadd.s32 s3, v3;
	vm1 =	vlt.s32 v10, v7;
	vm2 =	veq.s32 v14, $0x10000  }
0x1e9: {  	s0 =	simm.s32 $0x4;
	p2 =	por $0x1, $0x1;
	v12 =	vand.u32 $0xFFFF, v11;
	v11 =	vld.idx.msk [tilespmem:v9+s25+$0x0], vm0;
	vm1 =	vmand vm1, vm2;
	vm2 =	vmmov vm0  }
0x1ea: {  	_ = 	snop  }
0x1eb: {  	p4 =	sne.s32 s30, $0x5  }
.Ltmp28:
0x1ec: {  	_ = 	snop;
	(pc) =	sbr.rel @!p4 .LBB2_45-.Ltmp28, $4  }
0x1ed: {  	v10 =	vmov s4  }
0x1ee: {  	v16 =	vld.idx.msk [tilespmem:v6+s24+$0x0], $0xffff;
	v6 =	vadd.s32 s0, v3;
	v14 =	vand.u32 $0xFFFF0000, v13  }
0x1ef: {  	vm0 =	vlt.s32 v10, v7;
	v9 =	vand.u32 $0xFFFF, v13;
	vm3 =	veq.s32 v14, $0x10000  }
0x1f0: {  	s2 =	simm.s32 $0x5;
	v15 =	vld.idx.msk [tilespmem:v12+s25+$0x0], vm1;
	p3 =	por $0x1, $0x1;
	v10 =	vmovc v8;
	v14 =	vnsel vm2, $0x0, v11;
	vm0 =	vmand vm0, vm3;
	vm3 =	vmmov vm1  }
.LBB2_46:
0x1f1: {  	s4 =	smov.u32 s2;
	s2 =	sadd.s32 $0x1, s2  }
0x1f2: {  	v10 =	vadd.f32 v14, v10;
	p4 =	sne.s32 s30, s2  }
.Ltmp29:
0x1f3: {  	(pc) =	sbr.rel @p4 .LBB2_46-.Ltmp29, $4  }
0x1f4: {  	_ = 	snop  }
0x1f5: {  	v13 =	vmov s3;
	s3 =	smov.u32 s0;
	s0 =	smov.u32 s4;
	v14 =	vand.u32 $0xFFFF0000, v16;
	v17 =	vand.u32 $0xFFFF, v16;
	v16 =	vld.idx.msk [tilespmem:v6+s24+$0x0], $0xffff  }
0x1f6: {  	vm4 =	vlt.s32 v13, v7;
	v6 =	vadd.s32 s0, v3;
	vm5 =	veq.s32 v14, $0x10000  }
0x1f7: {  	v14 =	vnsel vm3, $0x0, v15;
	vm3 =	vmmov vm0;
	v15 =	vld.idx.msk [tilespmem:v9+s25+$0x0], vm0;
	v9 =	vmovc v17;
	vm0 =	vmand vm4, vm5  }
.Ltmp30:
0x1f8: {  	(pc) =	sbr.rel .LBB2_48-.Ltmp30, $2  }
0x1f9: {  	_ =	sdelay $0x2  }
0x1fa: {  	s2 =	smov.u32 s3;
	v13 =	vmov v16  }
.LBB2_11:
.Ltmp31:
0x1fb: {  	(pc) =	sbr.rel .LBB2_28-.Ltmp31, $2  }
0x1fc: {  	_ =	sdelay $0x2  }
0x1fd: {  	v11 =	vimm.f32 $0.0e+00;
	s4 =	simm.s32 $0x0  }
.LBB2_19:
.Ltmp32:
0x1fe: {  	(pc) =	sbr.rel .LBB2_28-.Ltmp32, $2  }
0x1ff: {  	s3 =	sld [smem:$0x7FD];
	_ =	sdelay $0x2  }
0x200: {  	v11 =	vimm.f32 $0.0e+00;
	s13 =	simm.s32 $0x0;
	s4 =	simm.s32 $0x1;
	p2 =	seq.s32 s3, $0x1  }
.LBB2_39:
.Ltmp33:
0x201: {  	(pc) =	sbr.rel .LBB2_48-.Ltmp33, $2  }
0x202: {  	_ =	sdelay $0x2  }
0x203: {  	v10 =	vmov v8;
	s2 =	simm.s32 $0x0;
	s0 =	simm.s32 $0x1  }
.LBB2_21:
.Ltmp34:
0x204: {  	_ = 	snop;
	(pc) =	sbr.rel .LBB2_28-.Ltmp34, $2  }
0x205: {  	s3 =	sld [smem:$0x7FD];
	_ =	sdelay $0x2  }
0x206: {  	v11 =	vimm.f32 $0.0e+00;
	s13 =	simm.s32 $0x1;
	s4 =	simm.s32 $0x2;
	p2 =	seq.s32 s3, $0x1;
	v16 =	vmov v12  }
.LBB2_41:
.Ltmp35:
0x207: {  	_ = 	snop;
	(pc) =	sbr.rel .LBB2_48-.Ltmp35, $2  }
0x208: {  	_ =	sdelay $0x2  }
0x209: {  	v10 =	vmov v8;
	s0 =	simm.s32 $0x2;
	v13 =	vmov v11  }
.LBB2_23:
.Ltmp36:
0x20a: {  	_ = 	snop;
	(pc) =	sbr.rel .LBB2_28-.Ltmp36, $2  }
0x20b: {  	s3 =	sld [smem:$0x7FD];
	_ =	sdelay $0x2  }
0x20c: {  	v11 =	vimm.f32 $0.0e+00;
	vm3 =	vmmov vm0;
	vm1 =	vmmov vm2;
	s13 =	simm.s32 $0x2;
	v10 =	vmovc v13;
	p2 =	seq.s32 s3, $0x1;
	v15 =	vmovc v12  }
.LBB2_43:
.Ltmp37:
0x20d: {  	_ = 	snop;
	(pc) =	sbr.rel .LBB2_48-.Ltmp37, $2  }
0x20e: {  	_ =	sdelay $0x2  }
0x20f: {  	v10 =	vmovc v8;
	s2 =	simm.s32 $0x2;
	s0 =	simm.s32 $0x3;
	vm0 =	vmmov vm1;
	v9 =	vmovc v12;
	vm3 =	vmmov vm2;
	v15 =	vmov v11  }
.LBB2_25:
.Ltmp38:
0x210: {  	(pc) =	sbr.rel .LBB2_28-.Ltmp38, $2  }
0x211: {  	s3 =	sld [smem:$0x7FD];
	_ =	sdelay $0x2  }
0x212: {  	v11 =	vimm.f32 $0.0e+00;
	s13 =	simm.s32 $0x3;
	s4 =	simm.s32 $0x4;
	v16 =	vmov v17;
	p2 =	seq.s32 s3, $0x1  }
.LBB2_45:
.Ltmp39:
0x213: {  	(pc) =	sbr.rel .LBB2_48-.Ltmp39, $2  }
0x214: {  	_ =	sdelay $0x2  }
0x215: {  	v10 =	vmov v8;
	s2 =	simm.s32 $0x3;
	v13 =	vmov v16  }
.LBB2_50:
0x216: {  	_ =	sfence.sel $0x180000  }
0x217: {  	[bflag:$0x0] =	sbarrier.arrive $0xFFFF  }
0x218: {  	_ =	strace $0x90000047  }
0x219: {  	s0 =	stileid.u32;
	[bflag:$0x2] =	sbarrier.arrive $0xFFFF  }
0x21a: {  	p0 =	sne.s32 s0, $0x0;
	s0 =	rddreg [dreg:$0x4]  }
0x21b: {  	s0 =	sadd.s32 @!p0 $0x100000, s0  }
0x21c: {  	[sflag:s0] =	ssyncadd.tile.s32 @!p0 $0x1;
	_ =	shalt  }
.Lfunc_end2:
_tile_overlayer_lowered:
.L_overlay_start_2:
0x21d: {  	(tag) =	ssettag $0x2  }
0x21e: {  	s0 =	rddreg [dreg:$0x0];
	s2 =	stileid.u32  }
0x21f: {  	s1 =	rddreg [dreg:$0x1];
	p0 =	sne.s32 s2, $0x0  }
0x220: {  	s3 =	rddreg [dreg:$0x2];
	[bflag:$0x3] =	sbarrier.arrive $0xFFFF;
	s2 =	simm.s32 @!p0 $0x1C04  }
0x221: {  	[timem:s3], [sflag:s2] =	dma.local @!p0 [hbm:s0], s1  }
0x222: {  	s0 =	simm.s32 @!p0 $0x4  }
0x223: {  	_ =	swait.ge @!p0 [sflag:s0], s1  }
0x224: {  	s1 =	ssub.s32 @!p0 $0x0, s1;
	[sflag:s0] =	ssyncset.done @!p0 $0x0  }
0x225: {  	[sflag:s0] =	ssyncadd.s32 @!p0 s1  }
0x226: {  	[bflag:$0x3] =	sbarrier.arrive $0xFFFF  }
0x227: {  	_ =	shalt  }

</sc_bundles>
